<compile_context>
chip_gen: v7x
topology: tpu7x:2x2x1
jax: 0.10.2.dev20260603
libtpu: 0.0.44.dev20260713+nightly
codegen_flags: <defaults>
</compile_context>

<pallas_src>
import functools

import jax
import jax.numpy as jnp
from jax import lax
from jax.experimental import pallas as pl
from jax.experimental.pallas import tpu as pltpu
from jax.experimental.pallas import tpu_sc as plsc

N_EDGES = 320000
N_TRI = 640000
EMB = 128
INT = 64
RBF_DIM = 6
SBF_DIM = 42

BLK_A = 1280
BLK_B = 2560
BLK_C = 1280


def _swish(v):
    return v * jax.nn.sigmoid(v)


def _dot(a, b):
    return jnp.dot(a, b, preferred_element_type=jnp.float32)


def _pre_body(x_ref, rbf_ref, wji_ref, bji_ref, wkj_ref, bkj_ref,
              wrbf_ref, wdown_ref, xji_ref, t_ref):
    xb = x_ref[:]
    x_ji = _swish(_dot(xb, wji_ref[:]) + bji_ref[:])
    x_kj = _swish(_dot(xb, wkj_ref[:]) + bkj_ref[:])
    rbf_p = _dot(rbf_ref[:], wrbf_ref[:])
    xji_ref[:] = x_ji
    t_ref[:] = _swish(_dot(x_kj * rbf_p, wdown_ref[:]))


def _sbf_body(sbf_ref, wsbf_ref, out_ref):
    out_ref[:] = _dot(sbf_ref[:], wsbf_ref[:])


def _post_body(acc_ref, xji_ref, x_ref,
               wup_ref, rb0w1_ref, rb0b1_ref, rb0w2_ref, rb0b2_ref,
               wfin_ref, bfin_ref,
               ra0w1_ref, ra0b1_ref, ra0w2_ref, ra0b2_ref,
               ra1w1_ref, ra1b1_ref, ra1w2_ref, ra1b2_ref,
               out_ref):
    x_kj = _swish(_dot(acc_ref[:], wup_ref[:]))
    x2 = xji_ref[:] + x_kj
    h = _swish(_dot(x2, rb0w1_ref[:]) + rb0b1_ref[:])
    h = _swish(_dot(h, rb0w2_ref[:]) + rb0b2_ref[:])
    x2 = x2 + h
    x2 = _swish(_dot(x2, wfin_ref[:]) + bfin_ref[:])
    xo = x_ref[:] + x2
    h = _swish(_dot(xo, ra0w1_ref[:]) + ra0b1_ref[:])
    h = _swish(_dot(h, ra0w2_ref[:]) + ra0b2_ref[:])
    xo = xo + h
    h = _swish(_dot(xo, ra1w1_ref[:]) + ra1b1_ref[:])
    h = _swish(_dot(h, ra1w2_ref[:]) + ra1b2_ref[:])
    out_ref[:] = xo + h


def _row_spec(blk, width):
    return pl.BlockSpec((blk, width), lambda i: (i, 0))


def _full_spec(shape):
    return pl.BlockSpec(shape, lambda i: tuple(0 for _ in shape))


def _pre_stage(x, rbf, W_ji, b_ji, W_kj, b_kj, W_rbf, W_down):
    n = x.shape[0]
    grid = n // BLK_A
    return pl.pallas_call(
        _pre_body,
        grid=(grid,),
        in_specs=[
            _row_spec(BLK_A, EMB),
            _row_spec(BLK_A, RBF_DIM),
            _full_spec((EMB, EMB)),
            _full_spec((1, EMB)),
            _full_spec((EMB, EMB)),
            _full_spec((1, EMB)),
            _full_spec((RBF_DIM, EMB)),
            _full_spec((EMB, 128)),
        ],
        out_specs=[
            _row_spec(BLK_A, EMB),
            _row_spec(BLK_A, 128),
        ],
        out_shape=[
            jax.ShapeDtypeStruct((n, EMB), jnp.float32),
            jax.ShapeDtypeStruct((n, 128), jnp.float32),
        ],
    )(x, rbf, W_ji, b_ji.reshape(1, EMB), W_kj, b_kj.reshape(1, EMB),
      W_rbf, W_down)


def _sbf_stage(sbf, W_sbf):
    n = sbf.shape[0]
    grid = n // BLK_B
    return pl.pallas_call(
        _sbf_body,
        grid=(grid,),
        in_specs=[
            _row_spec(BLK_B, SBF_DIM),
            _full_spec((SBF_DIM, 128)),
        ],
        out_specs=_row_spec(BLK_B, 128),
        out_shape=jax.ShapeDtypeStruct((n, 128), jnp.float32),
    )(sbf, W_sbf)


def _post_stage(acc, x_ji, x, W_up, rb0_W1, rb0_b1, rb0_W2, rb0_b2,
                W_final, b_final, ra0_W1, ra0_b1, ra0_W2, ra0_b2,
                ra1_W1, ra1_b1, ra1_W2, ra1_b2):
    n = x.shape[0]
    grid = n // BLK_C
    return pl.pallas_call(
        _post_body,
        grid=(grid,),
        in_specs=[
            _row_spec(BLK_C, INT),
            _row_spec(BLK_C, EMB),
            _row_spec(BLK_C, EMB),
            _full_spec((INT, EMB)),
            _full_spec((EMB, EMB)), _full_spec((1, EMB)),
            _full_spec((EMB, EMB)), _full_spec((1, EMB)),
            _full_spec((EMB, EMB)), _full_spec((1, EMB)),
            _full_spec((EMB, EMB)), _full_spec((1, EMB)),
            _full_spec((EMB, EMB)), _full_spec((1, EMB)),
            _full_spec((EMB, EMB)), _full_spec((1, EMB)),
            _full_spec((EMB, EMB)), _full_spec((1, EMB)),
        ],
        out_specs=_row_spec(BLK_C, EMB),
        out_shape=jax.ShapeDtypeStruct((n, EMB), jnp.float32),
    )(acc, x_ji, x,
      W_up, rb0_W1, rb0_b1.reshape(1, EMB), rb0_W2, rb0_b2.reshape(1, EMB),
      W_final, b_final.reshape(1, EMB),
      ra0_W1, ra0_b1.reshape(1, EMB), ra0_W2, ra0_b2.reshape(1, EMB),
      ra1_W1, ra1_b1.reshape(1, EMB), ra1_W2, ra1_b2.reshape(1, EMB))



SC_CORES = 2
SC_TILES = 16
WID = 128
R_CHUNK = 6400
N_PASS = N_EDGES // (SC_CORES * R_CHUNK)
ACC_ROWS = 6656
TRI_PER_TILE = N_TRI // SC_TILES
WIN = 8000
N_WIN = TRI_PER_TILE // WIN
SEL_SZ = WIN + 256
TRASH = WIN + 240
BATCH = 128
ZROWS = 104


def _sc_triplet_body(t_hbm, sbfp_hbm, ide_hbm, idr_hbm, out_hbm,
                     acc, idr_buf, ide_buf, relb, expb, tidb, rel2d,
                     row_a, row_b, p_buf, zbuf):
    cid = lax.axis_index("c")
    sid = lax.axis_index("s")
    tri_base0 = sid * TRI_PER_TILE
    iota16 = lax.iota(jnp.int32, 16)
    zero16 = jnp.zeros((16,), jnp.float32)

    def zinit(r, _):
        for c8 in range(INT // 16):
            zbuf[r, pl.ds(c8 * 16, 16)] = zero16
        return 0
    lax.fori_loop(0, ZROWS, zinit, 0)

    def binit(j, _):
        relb[pl.ds(j * 16, 16)] = R_CHUNK + iota16
        expb[pl.ds(j * 16, 16)] = iota16
        tidb[pl.ds(j * 16, 16)] = iota16
        return 0
    lax.fori_loop(0, SEL_SZ // 16, binit, 0)

    def pass_body(p, _):
        chunk = p * SC_CORES + cid
        lo = chunk * R_CHUNK
        for z in range(ACC_ROWS // SC_TILES // ZROWS):
            pltpu.sync_copy(
                zbuf, acc.at[pl.ds(sid * (ACC_ROWS // SC_TILES) + z * ZROWS,
                                   ZROWS)])
        plsc.subcore_barrier()

        def win_body(w, _):
            base = tri_base0 + w * WIN
            pltpu.sync_copy(idr_hbm.at[pl.ds(base, WIN)], idr_buf)
            pltpu.sync_copy(ide_hbm.at[pl.ds(base, WIN)], ide_buf)

            def scan_body(v, cnt):
                ids = idr_buf[pl.ds(v * 16, 16)]
                m = (ids >= lo) & (ids < lo + R_CHUNK)
                mi = jnp.where(m, 1, 0)
                s = plsc.cumsum(mi)
                pos = jnp.where(m, (cnt + s) - mi, TRASH + iota16)
                plsc.store_scatter(relb, [pos], ids - lo)
                plsc.store_scatter(expb, [pos], ide_buf[pl.ds(v * 16, 16)])
                tid = (base + v * 16) + iota16
                plsc.store_scatter(tidb, [pos], tid)
                return cnt + s[15]

            cnt = lax.fori_loop(0, WIN // 16, scan_body, jnp.int32(0))
            for k in range(BATCH // 16):
                relb[pl.ds(cnt + k * 16, 16)] = (R_CHUNK + k * 16) + iota16
                expb[pl.ds(cnt + k * 16, 16)] = (sid * 256 + k * 16) + iota16
                tidb[pl.ds(cnt + k * 16, 16)] = (sid * 256 + k * 16) + iota16
            nb = (cnt + BATCH - 1) >> 7

            def batch_body(b, _):
                off = b * BATCH
                pltpu.sync_copy(t_hbm.at[expb.at[pl.ds(off, BATCH)]], row_a)
                pltpu.sync_copy(sbfp_hbm.at[tidb.at[pl.ds(off, BATCH)]],
                                row_b)

                def mul_body(r, _):
                    for c8 in range(INT // 16):
                        p_buf[r, pl.ds(c8 * 16, 16)] = (
                            row_a[r, pl.ds(c8 * 16, 16)]
                            * row_b[r, pl.ds(c8 * 16, 16)])
                    return 0
                lax.fori_loop(0, BATCH, mul_body, 0)
                for k in range(BATCH // 16):
                    rel2d[0, pl.ds(k * 16, 16)] = relb[pl.ds(off + k * 16, 16)]
                pltpu.sync_copy(p_buf, acc.at[rel2d.at[0]], add=True)
                return 0

            lax.fori_loop(0, nb, batch_body, 0)
            return 0

        lax.fori_loop(0, N_WIN, win_body, 0)
        plsc.subcore_barrier()
        rows_out = 800

        @pl.when(sid < 8)
        def _():
            pltpu.sync_copy(acc.at[pl.ds(sid * rows_out, rows_out)],
                            out_hbm.at[pl.ds(lo + sid * rows_out, rows_out)])
        plsc.subcore_barrier()
        return 0

    lax.fori_loop(0, N_PASS, pass_body, 0)


def _sc_triplet_stage(t, sbf_p, id_expand, id_reduce):
    mesh = plsc.VectorSubcoreMesh(core_axis_name="c", subcore_axis_name="s")
    k = pl.kernel(
        _sc_triplet_body,
        out_type=jax.ShapeDtypeStruct((N_EDGES, INT), jnp.float32),
        mesh=mesh,
        scratch_types=[
            pltpu.VMEM_SHARED((ACC_ROWS, INT), jnp.float32),
            pltpu.VMEM((WIN,), jnp.int32),
            pltpu.VMEM((WIN,), jnp.int32),
            pltpu.VMEM((SEL_SZ,), jnp.int32),
            pltpu.VMEM((SEL_SZ,), jnp.int32),
            pltpu.VMEM((SEL_SZ,), jnp.int32),
            pltpu.VMEM((1, BATCH), jnp.int32),
            pltpu.VMEM((BATCH, WID), jnp.float32),
            pltpu.VMEM((BATCH, WID), jnp.float32),
            pltpu.VMEM((BATCH, INT), jnp.float32),
            pltpu.VMEM((ZROWS, INT), jnp.float32),
        ],
        compiler_params=pltpu.CompilerParams(needs_layout_passes=False),
    )
    return k(t, sbf_p, id_expand, id_reduce)


def kernel(x, rbf, sbf, id_expand_kj, id_reduce_ji, W_rbf1, W_rbf2, W_sbf1,
           W_sbf2, W_ji, b_ji, W_kj, b_kj, W_down, W_up, rb0_W1, rb0_b1,
           rb0_W2, rb0_b2, W_final, b_final, ra0_W1, ra0_b1, ra0_W2, ra0_b2,
           ra1_W1, ra1_b1, ra1_W2, ra1_b2):
    n_edges = x.shape[0]
    W_rbf = _dot(W_rbf1, W_rbf2)
    W_sbf = jnp.pad(_dot(W_sbf1, W_sbf2), ((0, 0), (0, 128 - INT)))
    W_down_p = jnp.pad(W_down, ((0, 0), (0, 128 - INT)))
    x_ji, t = _pre_stage(x, rbf, W_ji, b_ji, W_kj, b_kj, W_rbf, W_down_p)
    sbf_p = _sbf_stage(sbf, W_sbf)
    acc = _sc_triplet_stage(t, sbf_p, id_expand_kj, id_reduce_ji)
    return _post_stage(acc, x_ji, x, W_up, rb0_W1, rb0_b1, rb0_W2, rb0_b2,
                       W_final, b_final, ra0_W1, ra0_b1, ra0_W2, ra0_b2,
                       ra1_W1, ra1_b1, ra1_W2, ra1_b2)

# --- scband reference (transcript-rebuilt; emitter-appended) ---
"""Pipeline reference for scband-interaction-ppblock-23149873725723 (READ-ONLY COPY).

The authoritative reference and input builder live on the scoring server;
editing this copy changes nothing except your own understanding.
"""

import jax, jax.numpy as jnp
import numpy as np

N_EDGES = 320000
N_TRI = 640000
EMB = 128
INT = 64
BAS = 8
RBF_DIM = 6
SBF_DIM = 42

def swish(v):
    return v * jax.nn.sigmoid(v)

def setup_inputs(seed: int = 0):
    key = jax.random.key(seed)
    ks = jax.random.split(key, 32)
    def w(k, shape):
        return (jax.random.normal(k, shape, dtype=jnp.float32) * 0.05).astype(jnp.float32)
    inp = {}
    inp['x'] = jax.random.normal(ks[0], (N_EDGES, EMB), dtype=jnp.float32)
    inp['rbf'] = jax.random.normal(ks[1], (N_EDGES, RBF_DIM), dtype=jnp.float32)
    inp['sbf'] = jax.random.normal(ks[2], (N_TRI, SBF_DIM), dtype=jnp.float32)
    inp['id_expand_kj'] = jax.random.randint(ks[3], (N_TRI,), 0, N_EDGES, dtype=jnp.int32)
    inp['id_reduce_ji'] = jax.random.randint(ks[4], (N_TRI,), 0, N_EDGES, dtype=jnp.int32)
    inp['W_rbf1'] = w(ks[5], (RBF_DIM, BAS))
    inp['W_rbf2'] = w(ks[6], (BAS, EMB))
    inp['W_sbf1'] = w(ks[7], (SBF_DIM, BAS))
    inp['W_sbf2'] = w(ks[8], (BAS, INT))
    inp['W_ji'] = w(ks[9], (EMB, EMB)); inp['b_ji'] = jnp.zeros((EMB,), jnp.float32)
    inp['W_kj'] = w(ks[10], (EMB, EMB)); inp['b_kj'] = jnp.zeros((EMB,), jnp.float32)
    inp['W_down'] = w(ks[11], (EMB, INT))
    inp['W_up'] = w(ks[12], (INT, EMB))
    inp['rb0_W1'] = w(ks[13], (EMB, EMB)); inp['rb0_b1'] = jnp.zeros((EMB,), jnp.float32)
    inp['rb0_W2'] = w(ks[14], (EMB, EMB)); inp['rb0_b2'] = jnp.zeros((EMB,), jnp.float32)
    inp['W_final'] = w(ks[15], (EMB, EMB)); inp['b_final'] = jnp.zeros((EMB,), jnp.float32)
    inp['ra0_W1'] = w(ks[16], (EMB, EMB)); inp['ra0_b1'] = jnp.zeros((EMB,), jnp.float32)
    inp['ra0_W2'] = w(ks[17], (EMB, EMB)); inp['ra0_b2'] = jnp.zeros((EMB,), jnp.float32)
    inp['ra1_W1'] = w(ks[18], (EMB, EMB)); inp['ra1_b1'] = jnp.zeros((EMB,), jnp.float32)
    inp['ra1_W2'] = w(ks[19], (EMB, EMB)); inp['ra1_b2'] = jnp.zeros((EMB,), jnp.float32)
    return inp

def reference(x, rbf, sbf, id_expand_kj, id_reduce_ji,
              W_rbf1, W_rbf2, W_sbf1, W_sbf2,
              W_ji, b_ji, W_kj, b_kj, W_down, W_up,
              rb0_W1, rb0_b1, rb0_W2, rb0_b2,
              W_final, b_final,
              ra0_W1, ra0_b1, ra0_W2, ra0_b2,
              ra1_W1, ra1_b1, ra1_W2, ra1_b2):
    num_interactions = x.shape[0]
    x_ji = swish(x @ W_ji + b_ji)
    x_kj = swish(x @ W_kj + b_kj)
    rbf_p = (rbf @ W_rbf1) @ W_rbf2
    x_kj = x_kj * rbf_p
    x_kj = swish(x_kj @ W_down)
    x_kj = jnp.take(x_kj, id_expand_kj, axis=0)
    sbf_p = (sbf @ W_sbf1) @ W_sbf2
    x_kj = x_kj * sbf_p
    x_kj = jax.ops.segment_sum(x_kj, id_reduce_ji, num_segments=num_interactions)
    x_kj = swish(x_kj @ W_up)
    x2 = x_ji + x_kj
    h = swish(x2 @ rb0_W1 + rb0_b1)
    h = swish(h @ rb0_W2 + rb0_b2)
    x2 = x2 + h
    x2 = swish(x2 @ W_final + b_final)
    x = x + x2
    h = swish(x @ ra0_W1 + ra0_b1)
    h = swish(h @ ra0_W2 + ra0_b2)
    x = x + h
    h = swish(x @ ra1_W1 + ra1_b1)
    h = swish(h @ ra1_W2 + ra1_b2)
    x = x + h
    return x

if __name__ == "__main__":
    import jax
    _d = setup_inputs()
    print(jax.jit(kernel)(*tuple(_d.values())))

</pallas_src>

<mosaic_0001>
#map = affine_map<(d0, d1) -> (0, 0)>
#map1 = affine_map<(d0, d1) -> (0)>
module attributes {stable_mosaic.version = 14 : i64} {
  func.func @_sc_triplet_body(%arg0: i32, %arg1: i32, %arg2: memref<320000x128xf32, #tpu.memory_space<hbm>>, %arg3: memref<640000x128xf32, #tpu.memory_space<hbm>>, %arg4: memref<640000xi32, #tpu.memory_space<hbm>>, %arg5: memref<640000xi32, #tpu.memory_space<hbm>>, %arg6: memref<320000x64xf32, #tpu.memory_space<hbm>>, %arg7: memref<6656x64xf32, #tpu.memory_space<vmem_shared>>, %arg8: memref<8000xi32, #tpu.memory_space<vmem>>, %arg9: memref<8000xi32, #tpu.memory_space<vmem>>, %arg10: memref<8256xi32, #tpu.memory_space<vmem>>, %arg11: memref<8256xi32, #tpu.memory_space<vmem>>, %arg12: memref<8256xi32, #tpu.memory_space<vmem>>, %arg13: memref<1x128xi32, #tpu.memory_space<vmem>>, %arg14: memref<128x128xf32, #tpu.memory_space<vmem>>, %arg15: memref<128x128xf32, #tpu.memory_space<vmem>>, %arg16: memref<128x64xf32, #tpu.memory_space<vmem>>, %arg17: memref<104x64xf32, #tpu.memory_space<vmem>>) attributes {dimension_semantics = [#tpu.dimension_semantics<core_parallel>, #tpu.dimension_semantics<subcore_parallel>], iteration_bounds = array<i64: 2, 16>, scalar_prefetch = 0 : i64, scratch_operands = 11 : i64, tpu.core_type = #tpu.core_type<sc_vector_subcore>, window_params = [{transform_indices = #map}, {transform_indices = #map}, {transform_indices = #map1}, {transform_indices = #map1}, {transform_indices = #map}]} {
    %mul3A = arith.constant 40000 : i32
    %mul3A_0 = arith.muli %arg1, %mul3A : i32
    %iota3A = tpu.iota {dimensions = array<i32: 0>} : vector<16xi32>
    %broadcast_in_dim3A = arith.constant 0.000000e+00 : f32
    %broadcast_in_dim3A_1 = vector.broadcast %broadcast_in_dim3A : f32 to vector<16xf32>
    %scan3A = arith.constant 0 : i32
    %scan3A_2 = arith.constant 0 : i32
    %scan3A_3 = arith.constant 104 : i32
    %scan3A_4 = arith.addi %scan3A_2, %scan3A_3 : i32
    %scan3A_5 = arith.constant 1 : i32
    %scan3A_6 = scf.for %scan3A_22 = %scan3A_2 to %scan3A_4 step %scan3A_5 iter_args(%scan3A_23 = %scan3A) -> (i32)  : i32 {
      %swap3A = arith.index_cast %scan3A_22 : i32 to index
      %swap3A_24 = arith.constant 0 : index
      %swap3A_25 = tpu.vector_load %arg17[%swap3A, %swap3A_24] {strides = array<i32>} : memref<104x64xf32, #tpu.memory_space<vmem>>, vector<16xf32>,
      tpu.vector_store %arg17[%swap3A, %swap3A_24], %broadcast_in_dim3A_1 {strides = array<i32>} : memref<104x64xf32, #tpu.memory_space<vmem>>, vector<16xf32>,
      %swap3A_26 = arith.index_cast %scan3A_22 : i32 to index
      %swap3A_27 = arith.constant 16 : index
      %swap3A_28 = tpu.vector_load %arg17[%swap3A_26, %swap3A_27] {strides = array<i32>} : memref<104x64xf32, #tpu.memory_space<vmem>>, vector<16xf32>,
      tpu.vector_store %arg17[%swap3A_26, %swap3A_27], %broadcast_in_dim3A_1 {strides = array<i32>} : memref<104x64xf32, #tpu.memory_space<vmem>>, vector<16xf32>,
      %swap3A_29 = arith.index_cast %scan3A_22 : i32 to index
      %swap3A_30 = arith.constant 32 : index
      %swap3A_31 = tpu.vector_load %arg17[%swap3A_29, %swap3A_30] {strides = array<i32>} : memref<104x64xf32, #tpu.memory_space<vmem>>, vector<16xf32>,
      tpu.vector_store %arg17[%swap3A_29, %swap3A_30], %broadcast_in_dim3A_1 {strides = array<i32>} : memref<104x64xf32, #tpu.memory_space<vmem>>, vector<16xf32>,
      %swap3A_32 = arith.index_cast %scan3A_22 : i32 to index
      %swap3A_33 = arith.constant 48 : index
      %swap3A_34 = tpu.vector_load %arg17[%swap3A_32, %swap3A_33] {strides = array<i32>} : memref<104x64xf32, #tpu.memory_space<vmem>>, vector<16xf32>,
      tpu.vector_store %arg17[%swap3A_32, %swap3A_33], %broadcast_in_dim3A_1 {strides = array<i32>} : memref<104x64xf32, #tpu.memory_space<vmem>>, vector<16xf32>,
      %scan3A_35 = arith.constant 0 : i32
      scf.yield %scan3A_35 : i32
    }
    %scan3A_7 = arith.constant 104 : i32
    %scan3A_8 = arith.constant 0 : i32
    %scan3A_9 = arith.constant 0 : i32
    %scan3A_10 = arith.constant 516 : i32
    %scan3A_11 = arith.addi %scan3A_9, %scan3A_10 : i32
    %scan3A_12 = arith.constant 1 : i32
    %scan3A_13 = scf.for %scan3A_22 = %scan3A_9 to %scan3A_11 step %scan3A_12 iter_args(%scan3A_23 = %scan3A_8) -> (i32)  : i32 {
      %add3A = arith.constant 6400 : i32
      %add3A_24 = vector.broadcast %add3A : i32 to vector<16xi32>
      %add3A_25 = arith.addi %add3A_24, %iota3A : vector<16xi32>
      %mul3A_26 = arith.constant 16 : i32
      %mul3A_27 = arith.muli %scan3A_22, %mul3A_26 : i32
      %swap3A = arith.index_cast %mul3A_27 : i32 to index
      %swap3A_28 = tpu.vector_load %arg10[%swap3A] {strides = array<i32>} : memref<8256xi32, #tpu.memory_space<vmem>>, vector<16xi32>,
      tpu.vector_store %arg10[%swap3A], %add3A_25 {strides = array<i32>} : memref<8256xi32, #tpu.memory_space<vmem>>, vector<16xi32>,
      %mul3A_29 = arith.constant 16 : i32
      %mul3A_30 = arith.muli %scan3A_22, %mul3A_29 : i32
      %swap3A_31 = arith.index_cast %mul3A_30 : i32 to index
      %swap3A_32 = tpu.vector_load %arg11[%swap3A_31] {strides = array<i32>} : memref<8256xi32, #tpu.memory_space<vmem>>, vector<16xi32>,
      tpu.vector_store %arg11[%swap3A_31], %iota3A {strides = array<i32>} : memref<8256xi32, #tpu.memory_space<vmem>>, vector<16xi32>,
      %mul3A_33 = arith.constant 16 : i32
      %mul3A_34 = arith.muli %scan3A_22, %mul3A_33 : i32
      %swap3A_35 = arith.index_cast %mul3A_34 : i32 to index
      %swap3A_36 = tpu.vector_load %arg12[%swap3A_35] {strides = array<i32>} : memref<8256xi32, #tpu.memory_space<vmem>>, vector<16xi32>,
      tpu.vector_store %arg12[%swap3A_35], %iota3A {strides = array<i32>} : memref<8256xi32, #tpu.memory_space<vmem>>, vector<16xi32>,
      %scan3A_37 = arith.constant 0 : i32
      scf.yield %scan3A_37 : i32
    }
    %scan3A_14 = arith.constant 516 : i32
    %scan3A_15 = arith.constant 0 : i32
    %scan3A_16 = arith.constant 0 : i32
    %scan3A_17 = arith.constant 25 : i32
    %scan3A_18 = arith.addi %scan3A_16, %scan3A_17 : i32
    %scan3A_19 = arith.constant 1 : i32
    %scan3A_20 = scf.for %scan3A_22 = %scan3A_16 to %scan3A_18 step %scan3A_19 iter_args(%scan3A_23 = %scan3A_15) -> (i32)  : i32 {
      %mul3A_24 = arith.constant 2 : i32
      %mul3A_25 = arith.muli %scan3A_22, %mul3A_24 : i32
      %add3A = arith.addi %mul3A_25, %arg0 : i32
      %mul3A_26 = arith.constant 6400 : i32
      %mul3A_27 = arith.muli %add3A, %mul3A_26 : i32
      %mul3A_28 = arith.constant 416 : i32
      %mul3A_29 = arith.muli %arg1, %mul3A_28 : i32
      %add3A_30 = arith.constant 0 : i32
      %add3A_31 = arith.addi %mul3A_29, %add3A_30 : i32
      "tpu.region"() ({
        %run_scoped3A = tpu.sem_alloc : memref<!tpu.dma_semaphore, #tpu.memory_space<semaphore_mem>>
        %dma_start3A = arith.constant 0 : i32
        %dma_start3A_56 = tpu.memref_slice %arg7[%add3A_31, %dma_start3A] : memref<6656x64xf32, #tpu.memory_space<vmem_shared>> -> memref<104x64xf32, #tpu.memory_space<vmem_shared>>
        %dma_start3A_57 = arith.constant 0 : i32
        %dma_start3A_58 = tpu.memref_slice %arg7[%add3A_31, %dma_start3A_57] : memref<6656x64xf32, #tpu.memory_space<vmem_shared>> -> memref<104x64xf32, #tpu.memory_space<vmem_shared>>
        tpu.enqueue_dma source(%arg17 : memref<104x64xf32, #tpu.memory_space<vmem>>) target(%dma_start3A_58 : memref<104x64xf32, #tpu.memory_space<vmem_shared>>) target_semaphore(%run_scoped3A : memref<!tpu.dma_semaphore, #tpu.memory_space<semaphore_mem>>)
        %dma_wait3A = arith.constant 0 : i32
        %dma_wait3A_59 = tpu.memref_slice %arg7[%add3A_31, %dma_wait3A] : memref<6656x64xf32, #tpu.memory_space<vmem_shared>> -> memref<104x64xf32, #tpu.memory_space<vmem_shared>>
        %dma_wait3A_60 = arith.constant 0 : i32
        %dma_wait3A_61 = tpu.memref_slice %arg7[%add3A_31, %dma_wait3A_60] : memref<6656x64xf32, #tpu.memory_space<vmem_shared>> -> memref<104x64xf32, #tpu.memory_space<vmem_shared>>
        tpu.wait_dma2 semaphore(%run_scoped3A : memref<!tpu.dma_semaphore, #tpu.memory_space<semaphore_mem>>) src(%arg17 : memref<104x64xf32, #tpu.memory_space<vmem>>) dst(%dma_wait3A_61 : memref<104x64xf32, #tpu.memory_space<vmem_shared>>)
        tpu.yield
      }) : () -> ()
      %mul3A_32 = arith.constant 416 : i32
      %mul3A_33 = arith.muli %arg1, %mul3A_32 : i32
      %add3A_34 = arith.constant 104 : i32
      %add3A_35 = arith.addi %mul3A_33, %add3A_34 : i32
      "tpu.region"() ({
        %run_scoped3A = tpu.sem_alloc : memref<!tpu.dma_semaphore, #tpu.memory_space<semaphore_mem>>
        %dma_start3A = arith.constant 0 : i32
        %dma_start3A_56 = tpu.memref_slice %arg7[%add3A_35, %dma_start3A] : memref<6656x64xf32, #tpu.memory_space<vmem_shared>> -> memref<104x64xf32, #tpu.memory_space<vmem_shared>>
        %dma_start3A_57 = arith.constant 0 : i32
        %dma_start3A_58 = tpu.memref_slice %arg7[%add3A_35, %dma_start3A_57] : memref<6656x64xf32, #tpu.memory_space<vmem_shared>> -> memref<104x64xf32, #tpu.memory_space<vmem_shared>>
        tpu.enqueue_dma source(%arg17 : memref<104x64xf32, #tpu.memory_space<vmem>>) target(%dma_start3A_58 : memref<104x64xf32, #tpu.memory_space<vmem_shared>>) target_semaphore(%run_scoped3A : memref<!tpu.dma_semaphore, #tpu.memory_space<semaphore_mem>>)
        %dma_wait3A = arith.constant 0 : i32
        %dma_wait3A_59 = tpu.memref_slice %arg7[%add3A_35, %dma_wait3A] : memref<6656x64xf32, #tpu.memory_space<vmem_shared>> -> memref<104x64xf32, #tpu.memory_space<vmem_shared>>
        %dma_wait3A_60 = arith.constant 0 : i32
        %dma_wait3A_61 = tpu.memref_slice %arg7[%add3A_35, %dma_wait3A_60] : memref<6656x64xf32, #tpu.memory_space<vmem_shared>> -> memref<104x64xf32, #tpu.memory_space<vmem_shared>>
        tpu.wait_dma2 semaphore(%run_scoped3A : memref<!tpu.dma_semaphore, #tpu.memory_space<semaphore_mem>>) src(%arg17 : memref<104x64xf32, #tpu.memory_space<vmem>>) dst(%dma_wait3A_61 : memref<104x64xf32, #tpu.memory_space<vmem_shared>>)
        tpu.yield
      }) : () -> ()
      %mul3A_36 = arith.constant 416 : i32
      %mul3A_37 = arith.muli %arg1, %mul3A_36 : i32
      %add3A_38 = arith.constant 208 : i32
      %add3A_39 = arith.addi %mul3A_37, %add3A_38 : i32
      "tpu.region"() ({
        %run_scoped3A = tpu.sem_alloc : memref<!tpu.dma_semaphore, #tpu.memory_space<semaphore_mem>>
        %dma_start3A = arith.constant 0 : i32
        %dma_start3A_56 = tpu.memref_slice %arg7[%add3A_39, %dma_start3A] : memref<6656x64xf32, #tpu.memory_space<vmem_shared>> -> memref<104x64xf32, #tpu.memory_space<vmem_shared>>
        %dma_start3A_57 = arith.constant 0 : i32
        %dma_start3A_58 = tpu.memref_slice %arg7[%add3A_39, %dma_start3A_57] : memref<6656x64xf32, #tpu.memory_space<vmem_shared>> -> memref<104x64xf32, #tpu.memory_space<vmem_shared>>
        tpu.enqueue_dma source(%arg17 : memref<104x64xf32, #tpu.memory_space<vmem>>) target(%dma_start3A_58 : memref<104x64xf32, #tpu.memory_space<vmem_shared>>) target_semaphore(%run_scoped3A : memref<!tpu.dma_semaphore, #tpu.memory_space<semaphore_mem>>)
        %dma_wait3A = arith.constant 0 : i32
        %dma_wait3A_59 = tpu.memref_slice %arg7[%add3A_39, %dma_wait3A] : memref<6656x64xf32, #tpu.memory_space<vmem_shared>> -> memref<104x64xf32, #tpu.memory_space<vmem_shared>>
        %dma_wait3A_60 = arith.constant 0 : i32
        %dma_wait3A_61 = tpu.memref_slice %arg7[%add3A_39, %dma_wait3A_60] : memref<6656x64xf32, #tpu.memory_space<vmem_shared>> -> memref<104x64xf32, #tpu.memory_space<vmem_shared>>
        tpu.wait_dma2 semaphore(%run_scoped3A : memref<!tpu.dma_semaphore, #tpu.memory_space<semaphore_mem>>) src(%arg17 : memref<104x64xf32, #tpu.memory_space<vmem>>) dst(%dma_wait3A_61 : memref<104x64xf32, #tpu.memory_space<vmem_shared>>)
        tpu.yield
      }) : () -> ()
      %mul3A_40 = arith.constant 416 : i32
      %mul3A_41 = arith.muli %arg1, %mul3A_40 : i32
      %add3A_42 = arith.constant 312 : i32
      %add3A_43 = arith.addi %mul3A_41, %add3A_42 : i32
      "tpu.region"() ({
        %run_scoped3A = tpu.sem_alloc : memref<!tpu.dma_semaphore, #tpu.memory_space<semaphore_mem>>
        %dma_start3A = arith.constant 0 : i32
        %dma_start3A_56 = tpu.memref_slice %arg7[%add3A_43, %dma_start3A] : memref<6656x64xf32, #tpu.memory_space<vmem_shared>> -> memref<104x64xf32, #tpu.memory_space<vmem_shared>>
        %dma_start3A_57 = arith.constant 0 : i32
        %dma_start3A_58 = tpu.memref_slice %arg7[%add3A_43, %dma_start3A_57] : memref<6656x64xf32, #tpu.memory_space<vmem_shared>> -> memref<104x64xf32, #tpu.memory_space<vmem_shared>>
        tpu.enqueue_dma source(%arg17 : memref<104x64xf32, #tpu.memory_space<vmem>>) target(%dma_start3A_58 : memref<104x64xf32, #tpu.memory_space<vmem_shared>>) target_semaphore(%run_scoped3A : memref<!tpu.dma_semaphore, #tpu.memory_space<semaphore_mem>>)
        %dma_wait3A = arith.constant 0 : i32
        %dma_wait3A_59 = tpu.memref_slice %arg7[%add3A_43, %dma_wait3A] : memref<6656x64xf32, #tpu.memory_space<vmem_shared>> -> memref<104x64xf32, #tpu.memory_space<vmem_shared>>
        %dma_wait3A_60 = arith.constant 0 : i32
        %dma_wait3A_61 = tpu.memref_slice %arg7[%add3A_43, %dma_wait3A_60] : memref<6656x64xf32, #tpu.memory_space<vmem_shared>> -> memref<104x64xf32, #tpu.memory_space<vmem_shared>>
        tpu.wait_dma2 semaphore(%run_scoped3A : memref<!tpu.dma_semaphore, #tpu.memory_space<semaphore_mem>>) src(%arg17 : memref<104x64xf32, #tpu.memory_space<vmem>>) dst(%dma_wait3A_61 : memref<104x64xf32, #tpu.memory_space<vmem_shared>>)
        tpu.yield
      }) : () -> ()
      %barrier3A = arith.constant 0 : index
      tpu.barrier barrier_id(%barrier3A)
      %scan3A_44 = arith.constant 0 : i32
      %scan3A_45 = arith.constant 0 : i32
      %scan3A_46 = arith.constant 5 : i32
      %scan3A_47 = arith.addi %scan3A_45, %scan3A_46 : i32
      %scan3A_48 = arith.constant 1 : i32
      %scan3A_49 = scf.for %scan3A_56 = %scan3A_45 to %scan3A_47 step %scan3A_48 iter_args(%scan3A_57 = %scan3A_44) -> (i32)  : i32 {
        %mul3A_58 = arith.constant 8000 : i32
        %mul3A_59 = arith.muli %scan3A_56, %mul3A_58 : i32
        %add3A_60 = arith.addi %mul3A_0, %mul3A_59 : i32
        "tpu.region"() ({
          %run_scoped3A = tpu.sem_alloc : memref<!tpu.dma_semaphore, #tpu.memory_space<semaphore_mem>>
          %dma_start3A = tpu.memref_slice %arg5[%add3A_60] : memref<640000xi32, #tpu.memory_space<hbm>> -> memref<8000xi32, #tpu.memory_space<hbm>>
          %dma_start3A_299 = tpu.memref_slice %arg5[%add3A_60] : memref<640000xi32, #tpu.memory_space<hbm>> -> memref<8000xi32, #tpu.memory_space<hbm>>
          tpu.enqueue_dma source(%dma_start3A_299 : memref<8000xi32, #tpu.memory_space<hbm>>) target(%arg8 : memref<8000xi32, #tpu.memory_space<vmem>>) target_semaphore(%run_scoped3A : memref<!tpu.dma_semaphore, #tpu.memory_space<semaphore_mem>>)
          %dma_wait3A = tpu.memref_slice %arg5[%add3A_60] : memref<640000xi32, #tpu.memory_space<hbm>> -> memref<8000xi32, #tpu.memory_space<hbm>>
          %dma_wait3A_300 = tpu.memref_slice %arg5[%add3A_60] : memref<640000xi32, #tpu.memory_space<hbm>> -> memref<8000xi32, #tpu.memory_space<hbm>>
          tpu.wait_dma2 semaphore(%run_scoped3A : memref<!tpu.dma_semaphore, #tpu.memory_space<semaphore_mem>>) src(%dma_wait3A_300 : memref<8000xi32, #tpu.memory_space<hbm>>) dst(%arg8 : memref<8000xi32, #tpu.memory_space<vmem>>)
          tpu.yield
        }) : () -> ()
        "tpu.region"() ({
          %run_scoped3A = tpu.sem_alloc : memref<!tpu.dma_semaphore, #tpu.memory_space<semaphore_mem>>
          %dma_start3A = tpu.memref_slice %arg4[%add3A_60] : memref<640000xi32, #tpu.memory_space<hbm>> -> memref<8000xi32, #tpu.memory_space<hbm>>
          %dma_start3A_299 = tpu.memref_slice %arg4[%add3A_60] : memref<640000xi32, #tpu.memory_space<hbm>> -> memref<8000xi32, #tpu.memory_space<hbm>>
          tpu.enqueue_dma source(%dma_start3A_299 : memref<8000xi32, #tpu.memory_space<hbm>>) target(%arg9 : memref<8000xi32, #tpu.memory_space<vmem>>) target_semaphore(%run_scoped3A : memref<!tpu.dma_semaphore, #tpu.memory_space<semaphore_mem>>)
          %dma_wait3A = tpu.memref_slice %arg4[%add3A_60] : memref<640000xi32, #tpu.memory_space<hbm>> -> memref<8000xi32, #tpu.memory_space<hbm>>
          %dma_wait3A_300 = tpu.memref_slice %arg4[%add3A_60] : memref<640000xi32, #tpu.memory_space<hbm>> -> memref<8000xi32, #tpu.memory_space<hbm>>
          tpu.wait_dma2 semaphore(%run_scoped3A : memref<!tpu.dma_semaphore, #tpu.memory_space<semaphore_mem>>) src(%dma_wait3A_300 : memref<8000xi32, #tpu.memory_space<hbm>>) dst(%arg9 : memref<8000xi32, #tpu.memory_space<vmem>>)
          tpu.yield
        }) : () -> ()
        %scan3A_61 = arith.constant 0 : i32
        %scan3A_62 = arith.constant 0 : i32
        %scan3A_63 = arith.constant 500 : i32
        %scan3A_64 = arith.addi %scan3A_62, %scan3A_63 : i32
        %scan3A_65 = arith.constant 1 : i32
        %scan3A_66 = scf.for %scan3A_299 = %scan3A_62 to %scan3A_64 step %scan3A_65 iter_args(%scan3A_300 = %scan3A_61) -> (i32)  : i32 {
          %mul3A_301 = arith.constant 16 : i32
          %mul3A_302 = arith.muli %scan3A_299, %mul3A_301 : i32
          %get3A = arith.index_cast %mul3A_302 : i32 to index
          %get3A_303 = tpu.vector_load %arg8[%get3A] {strides = array<i32>} : memref<8000xi32, #tpu.memory_space<vmem>>, vector<16xi32>,
          %ge3A = vector.broadcast %mul3A_27 : i32 to vector<16xi32>
          %ge3A_304 = arith.cmpi sge, %get3A_303, %ge3A : vector<16xi32>
          %add3A_305 = arith.constant 6400 : i32
          %add3A_306 = arith.addi %mul3A_27, %add3A_305 : i32
          %lt3A_307 = vector.broadcast %add3A_306 : i32 to vector<16xi32>
          %lt3A_308 = arith.cmpi slt, %get3A_303, %lt3A_307 : vector<16xi32>
          %and3A = arith.andi %ge3A_304, %lt3A_308 : vector<16xi1>
          %jit3A = arith.constant 1 : i32
          %jit3A_309 = arith.constant 0 : i32
          %broadcast_in_dim3A_310 = vector.broadcast %jit3A : i32 to vector<16xi32>
          %broadcast_in_dim3A_311 = vector.broadcast %jit3A_309 : i32 to vector<16xi32>
          %select_n3A = arith.select %and3A, %broadcast_in_dim3A_310, %broadcast_in_dim3A_311 : vector<16xi1>, vector<16xi32>
          %broadcast_in_dim3A_312 = arith.constant true
          %broadcast_in_dim3A_313 = vector.broadcast %broadcast_in_dim3A_312 : i1 to vector<16xi1>
          %masked_cumsum3A = tpu.scan <sum>, %select_n3A masked %broadcast_in_dim3A_313 : vector<16xi32>, vector<16xi1> -> vector<16xi32>
          %add3A_314 = vector.broadcast %scan3A_300 : i32 to vector<16xi32>
          %add3A_315 = arith.addi %add3A_314, %masked_cumsum3A : vector<16xi32>
          %sub3A_316 = arith.subi %add3A_315, %select_n3A : vector<16xi32>
          %add3A_317 = arith.constant 8240 : i32
          %add3A_318 = vector.broadcast %add3A_317 : i32 to vector<16xi32>
          %add3A_319 = arith.addi %add3A_318, %iota3A : vector<16xi32>
          %select_n3A_320 = arith.select %and3A, %sub3A_316, %add3A_319 : vector<16xi1>, vector<16xi32>
          %sub3A_321 = vector.broadcast %mul3A_27 : i32 to vector<16xi32>
          %sub3A_322 = arith.subi %get3A_303, %sub3A_321 : vector<16xi32>
          tpu.vector_store_idx %arg10[%select_n3A_320], %sub3A_322 : memref<8256xi32, #tpu.memory_space<vmem>>[vector<16xi32>], vector<16xi32>,
          %mul3A_323 = arith.constant 16 : i32
          %mul3A_324 = arith.muli %scan3A_299, %mul3A_323 : i32
          %get3A_325 = arith.index_cast %mul3A_324 : i32 to index
          %get3A_326 = tpu.vector_load %arg9[%get3A_325] {strides = array<i32>} : memref<8000xi32, #tpu.memory_space<vmem>>, vector<16xi32>,
          tpu.vector_store_idx %arg11[%select_n3A_320], %get3A_326 : memref<8256xi32, #tpu.memory_space<vmem>>[vector<16xi32>], vector<16xi32>,
          %mul3A_327 = arith.constant 16 : i32
          %mul3A_328 = arith.muli %scan3A_299, %mul3A_327 : i32
          %add3A_329 = arith.addi %add3A_60, %mul3A_328 : i32
          %add3A_330 = vector.broadcast %add3A_329 : i32 to vector<16xi32>
          %add3A_331 = arith.addi %add3A_330, %iota3A : vector<16xi32>
          tpu.vector_store_idx %arg12[%select_n3A_320], %add3A_331 : memref<8256xi32, #tpu.memory_space<vmem>>[vector<16xi32>], vector<16xi32>,
          %slice3A = vector.extract_strided_slice %masked_cumsum3A {offsets = [15], sizes = [1], strides = [1]} : vector<16xi32> to vector<1xi32>
          %squeeze3A = vector.extract %slice3A[0] : i32 from vector<1xi32>
          %add3A_332 = arith.addi %scan3A_300, %squeeze3A : i32
          scf.yield %add3A_332 : i32
        }
        %scan3A_67 = arith.constant 500 : i32
        %add3A_68 = arith.constant 6400 : i32
        %add3A_69 = vector.broadcast %add3A_68 : i32 to vector<16xi32>
        %add3A_70 = arith.addi %add3A_69, %iota3A : vector<16xi32>
        %add3A_71 = arith.constant 0 : i32
        %add3A_72 = arith.addi %scan3A_66, %add3A_71 : i32
        %swap3A = arith.index_cast %add3A_72 : i32 to index
        %swap3A_73 = tpu.vector_load %arg10[%swap3A] {strides = array<i32>} : memref<8256xi32, #tpu.memory_space<vmem>>, vector<16xi32>,
        tpu.vector_store %arg10[%swap3A], %add3A_70 {strides = array<i32>} : memref<8256xi32, #tpu.memory_space<vmem>>, vector<16xi32>,
        %mul3A_74 = arith.constant 256 : i32
        %mul3A_75 = arith.muli %arg1, %mul3A_74 : i32
        %add3A_76 = arith.constant 0 : i32
        %add3A_77 = arith.addi %mul3A_75, %add3A_76 : i32
        %add3A_78 = vector.broadcast %add3A_77 : i32 to vector<16xi32>
        %add3A_79 = arith.addi %add3A_78, %iota3A : vector<16xi32>
        %add3A_80 = arith.constant 0 : i32
        %add3A_81 = arith.addi %scan3A_66, %add3A_80 : i32
        %swap3A_82 = arith.index_cast %add3A_81 : i32 to index
        %swap3A_83 = tpu.vector_load %arg11[%swap3A_82] {strides = array<i32>} : memref<8256xi32, #tpu.memory_space<vmem>>, vector<16xi32>,
        tpu.vector_store %arg11[%swap3A_82], %add3A_79 {strides = array<i32>} : memref<8256xi32, #tpu.memory_space<vmem>>, vector<16xi32>,
        %mul3A_84 = arith.constant 256 : i32
        %mul3A_85 = arith.muli %arg1, %mul3A_84 : i32
        %add3A_86 = arith.constant 0 : i32
        %add3A_87 = arith.addi %mul3A_85, %add3A_86 : i32
        %add3A_88 = vector.broadcast %add3A_87 : i32 to vector<16xi32>
        %add3A_89 = arith.addi %add3A_88, %iota3A : vector<16xi32>
        %add3A_90 = arith.constant 0 : i32
        %add3A_91 = arith.addi %scan3A_66, %add3A_90 : i32
        %swap3A_92 = arith.index_cast %add3A_91 : i32 to index
        %swap3A_93 = tpu.vector_load %arg12[%swap3A_92] {strides = array<i32>} : memref<8256xi32, #tpu.memory_space<vmem>>, vector<16xi32>,
        tpu.vector_store %arg12[%swap3A_92], %add3A_89 {strides = array<i32>} : memref<8256xi32, #tpu.memory_space<vmem>>, vector<16xi32>,
        %add3A_94 = arith.constant 6416 : i32
        %add3A_95 = vector.broadcast %add3A_94 : i32 to vector<16xi32>
        %add3A_96 = arith.addi %add3A_95, %iota3A : vector<16xi32>
        %add3A_97 = arith.constant 16 : i32
        %add3A_98 = arith.addi %scan3A_66, %add3A_97 : i32
        %swap3A_99 = arith.index_cast %add3A_98 : i32 to index
        %swap3A_100 = tpu.vector_load %arg10[%swap3A_99] {strides = array<i32>} : memref<8256xi32, #tpu.memory_space<vmem>>, vector<16xi32>,
        tpu.vector_store %arg10[%swap3A_99], %add3A_96 {strides = array<i32>} : memref<8256xi32, #tpu.memory_space<vmem>>, vector<16xi32>,
        %mul3A_101 = arith.constant 256 : i32
        %mul3A_102 = arith.muli %arg1, %mul3A_101 : i32
        %add3A_103 = arith.constant 16 : i32
        %add3A_104 = arith.addi %mul3A_102, %add3A_103 : i32
        %add3A_105 = vector.broadcast %add3A_104 : i32 to vector<16xi32>
        %add3A_106 = arith.addi %add3A_105, %iota3A : vector<16xi32>
        %add3A_107 = arith.constant 16 : i32
        %add3A_108 = arith.addi %scan3A_66, %add3A_107 : i32
        %swap3A_109 = arith.index_cast %add3A_108 : i32 to index
        %swap3A_110 = tpu.vector_load %arg11[%swap3A_109] {strides = array<i32>} : memref<8256xi32, #tpu.memory_space<vmem>>, vector<16xi32>,
        tpu.vector_store %arg11[%swap3A_109], %add3A_106 {strides = array<i32>} : memref<8256xi32, #tpu.memory_space<vmem>>, vector<16xi32>,
        %mul3A_111 = arith.constant 256 : i32
        %mul3A_112 = arith.muli %arg1, %mul3A_111 : i32
        %add3A_113 = arith.constant 16 : i32
        %add3A_114 = arith.addi %mul3A_112, %add3A_113 : i32
        %add3A_115 = vector.broadcast %add3A_114 : i32 to vector<16xi32>
        %add3A_116 = arith.addi %add3A_115, %iota3A : vector<16xi32>
        %add3A_117 = arith.constant 16 : i32
        %add3A_118 = arith.addi %scan3A_66, %add3A_117 : i32
        %swap3A_119 = arith.index_cast %add3A_118 : i32 to index
        %swap3A_120 = tpu.vector_load %arg12[%swap3A_119] {strides = array<i32>} : memref<8256xi32, #tpu.memory_space<vmem>>, vector<16xi32>,
        tpu.vector_store %arg12[%swap3A_119], %add3A_116 {strides = array<i32>} : memref<8256xi32, #tpu.memory_space<vmem>>, vector<16xi32>,
        %add3A_121 = arith.constant 6432 : i32
        %add3A_122 = vector.broadcast %add3A_121 : i32 to vector<16xi32>
        %add3A_123 = arith.addi %add3A_122, %iota3A : vector<16xi32>
        %add3A_124 = arith.constant 32 : i32
        %add3A_125 = arith.addi %scan3A_66, %add3A_124 : i32
        %swap3A_126 = arith.index_cast %add3A_125 : i32 to index
        %swap3A_127 = tpu.vector_load %arg10[%swap3A_126] {strides = array<i32>} : memref<8256xi32, #tpu.memory_space<vmem>>, vector<16xi32>,
        tpu.vector_store %arg10[%swap3A_126], %add3A_123 {strides = array<i32>} : memref<8256xi32, #tpu.memory_space<vmem>>, vector<16xi32>,
        %mul3A_128 = arith.constant 256 : i32
        %mul3A_129 = arith.muli %arg1, %mul3A_128 : i32
        %add3A_130 = arith.constant 32 : i32
        %add3A_131 = arith.addi %mul3A_129, %add3A_130 : i32
        %add3A_132 = vector.broadcast %add3A_131 : i32 to vector<16xi32>
        %add3A_133 = arith.addi %add3A_132, %iota3A : vector<16xi32>
        %add3A_134 = arith.constant 32 : i32
        %add3A_135 = arith.addi %scan3A_66, %add3A_134 : i32
        %swap3A_136 = arith.index_cast %add3A_135 : i32 to index
        %swap3A_137 = tpu.vector_load %arg11[%swap3A_136] {strides = array<i32>} : memref<8256xi32, #tpu.memory_space<vmem>>, vector<16xi32>,
        tpu.vector_store %arg11[%swap3A_136], %add3A_133 {strides = array<i32>} : memref<8256xi32, #tpu.memory_space<vmem>>, vector<16xi32>,
        %mul3A_138 = arith.constant 256 : i32
        %mul3A_139 = arith.muli %arg1, %mul3A_138 : i32
        %add3A_140 = arith.constant 32 : i32
        %add3A_141 = arith.addi %mul3A_139, %add3A_140 : i32
        %add3A_142 = vector.broadcast %add3A_141 : i32 to vector<16xi32>
        %add3A_143 = arith.addi %add3A_142, %iota3A : vector<16xi32>
        %add3A_144 = arith.constant 32 : i32
        %add3A_145 = arith.addi %scan3A_66, %add3A_144 : i32
        %swap3A_146 = arith.index_cast %add3A_145 : i32 to index
        %swap3A_147 = tpu.vector_load %arg12[%swap3A_146] {strides = array<i32>} : memref<8256xi32, #tpu.memory_space<vmem>>, vector<16xi32>,
        tpu.vector_store %arg12[%swap3A_146], %add3A_143 {strides = array<i32>} : memref<8256xi32, #tpu.memory_space<vmem>>, vector<16xi32>,
        %add3A_148 = arith.constant 6448 : i32
        %add3A_149 = vector.broadcast %add3A_148 : i32 to vector<16xi32>
        %add3A_150 = arith.addi %add3A_149, %iota3A : vector<16xi32>
        %add3A_151 = arith.constant 48 : i32
        %add3A_152 = arith.addi %scan3A_66, %add3A_151 : i32
        %swap3A_153 = arith.index_cast %add3A_152 : i32 to index
        %swap3A_154 = tpu.vector_load %arg10[%swap3A_153] {strides = array<i32>} : memref<8256xi32, #tpu.memory_space<vmem>>, vector<16xi32>,
        tpu.vector_store %arg10[%swap3A_153], %add3A_150 {strides = array<i32>} : memref<8256xi32, #tpu.memory_space<vmem>>, vector<16xi32>,
        %mul3A_155 = arith.constant 256 : i32
        %mul3A_156 = arith.muli %arg1, %mul3A_155 : i32
        %add3A_157 = arith.constant 48 : i32
        %add3A_158 = arith.addi %mul3A_156, %add3A_157 : i32
        %add3A_159 = vector.broadcast %add3A_158 : i32 to vector<16xi32>
        %add3A_160 = arith.addi %add3A_159, %iota3A : vector<16xi32>
        %add3A_161 = arith.constant 48 : i32
        %add3A_162 = arith.addi %scan3A_66, %add3A_161 : i32
        %swap3A_163 = arith.index_cast %add3A_162 : i32 to index
        %swap3A_164 = tpu.vector_load %arg11[%swap3A_163] {strides = array<i32>} : memref<8256xi32, #tpu.memory_space<vmem>>, vector<16xi32>,
        tpu.vector_store %arg11[%swap3A_163], %add3A_160 {strides = array<i32>} : memref<8256xi32, #tpu.memory_space<vmem>>, vector<16xi32>,
        %mul3A_165 = arith.constant 256 : i32
        %mul3A_166 = arith.muli %arg1, %mul3A_165 : i32
        %add3A_167 = arith.constant 48 : i32
        %add3A_168 = arith.addi %mul3A_166, %add3A_167 : i32
        %add3A_169 = vector.broadcast %add3A_168 : i32 to vector<16xi32>
        %add3A_170 = arith.addi %add3A_169, %iota3A : vector<16xi32>
        %add3A_171 = arith.constant 48 : i32
        %add3A_172 = arith.addi %scan3A_66, %add3A_171 : i32
        %swap3A_173 = arith.index_cast %add3A_172 : i32 to index
        %swap3A_174 = tpu.vector_load %arg12[%swap3A_173] {strides = array<i32>} : memref<8256xi32, #tpu.memory_space<vmem>>, vector<16xi32>,
        tpu.vector_store %arg12[%swap3A_173], %add3A_170 {strides = array<i32>} : memref<8256xi32, #tpu.memory_space<vmem>>, vector<16xi32>,
        %add3A_175 = arith.constant 6464 : i32
        %add3A_176 = vector.broadcast %add3A_175 : i32 to vector<16xi32>
        %add3A_177 = arith.addi %add3A_176, %iota3A : vector<16xi32>
        %add3A_178 = arith.constant 64 : i32
        %add3A_179 = arith.addi %scan3A_66, %add3A_178 : i32
        %swap3A_180 = arith.index_cast %add3A_179 : i32 to index
        %swap3A_181 = tpu.vector_load %arg10[%swap3A_180] {strides = array<i32>} : memref<8256xi32, #tpu.memory_space<vmem>>, vector<16xi32>,
        tpu.vector_store %arg10[%swap3A_180], %add3A_177 {strides = array<i32>} : memref<8256xi32, #tpu.memory_space<vmem>>, vector<16xi32>,
        %mul3A_182 = arith.constant 256 : i32
        %mul3A_183 = arith.muli %arg1, %mul3A_182 : i32
        %add3A_184 = arith.constant 64 : i32
        %add3A_185 = arith.addi %mul3A_183, %add3A_184 : i32
        %add3A_186 = vector.broadcast %add3A_185 : i32 to vector<16xi32>
        %add3A_187 = arith.addi %add3A_186, %iota3A : vector<16xi32>
        %add3A_188 = arith.constant 64 : i32
        %add3A_189 = arith.addi %scan3A_66, %add3A_188 : i32
        %swap3A_190 = arith.index_cast %add3A_189 : i32 to index
        %swap3A_191 = tpu.vector_load %arg11[%swap3A_190] {strides = array<i32>} : memref<8256xi32, #tpu.memory_space<vmem>>, vector<16xi32>,
        tpu.vector_store %arg11[%swap3A_190], %add3A_187 {strides = array<i32>} : memref<8256xi32, #tpu.memory_space<vmem>>, vector<16xi32>,
        %mul3A_192 = arith.constant 256 : i32
        %mul3A_193 = arith.muli %arg1, %mul3A_192 : i32
        %add3A_194 = arith.constant 64 : i32
        %add3A_195 = arith.addi %mul3A_193, %add3A_194 : i32
        %add3A_196 = vector.broadcast %add3A_195 : i32 to vector<16xi32>
        %add3A_197 = arith.addi %add3A_196, %iota3A : vector<16xi32>
        %add3A_198 = arith.constant 64 : i32
        %add3A_199 = arith.addi %scan3A_66, %add3A_198 : i32
        %swap3A_200 = arith.index_cast %add3A_199 : i32 to index
        %swap3A_201 = tpu.vector_load %arg12[%swap3A_200] {strides = array<i32>} : memref<8256xi32, #tpu.memory_space<vmem>>, vector<16xi32>,
        tpu.vector_store %arg12[%swap3A_200], %add3A_197 {strides = array<i32>} : memref<8256xi32, #tpu.memory_space<vmem>>, vector<16xi32>,
        %add3A_202 = arith.constant 6480 : i32
        %add3A_203 = vector.broadcast %add3A_202 : i32 to vector<16xi32>
        %add3A_204 = arith.addi %add3A_203, %iota3A : vector<16xi32>
        %add3A_205 = arith.constant 80 : i32
        %add3A_206 = arith.addi %scan3A_66, %add3A_205 : i32
        %swap3A_207 = arith.index_cast %add3A_206 : i32 to index
        %swap3A_208 = tpu.vector_load %arg10[%swap3A_207] {strides = array<i32>} : memref<8256xi32, #tpu.memory_space<vmem>>, vector<16xi32>,
        tpu.vector_store %arg10[%swap3A_207], %add3A_204 {strides = array<i32>} : memref<8256xi32, #tpu.memory_space<vmem>>, vector<16xi32>,
        %mul3A_209 = arith.constant 256 : i32
        %mul3A_210 = arith.muli %arg1, %mul3A_209 : i32
        %add3A_211 = arith.constant 80 : i32
        %add3A_212 = arith.addi %mul3A_210, %add3A_211 : i32
        %add3A_213 = vector.broadcast %add3A_212 : i32 to vector<16xi32>
        %add3A_214 = arith.addi %add3A_213, %iota3A : vector<16xi32>
        %add3A_215 = arith.constant 80 : i32
        %add3A_216 = arith.addi %scan3A_66, %add3A_215 : i32
        %swap3A_217 = arith.index_cast %add3A_216 : i32 to index
        %swap3A_218 = tpu.vector_load %arg11[%swap3A_217] {strides = array<i32>} : memref<8256xi32, #tpu.memory_space<vmem>>, vector<16xi32>,
        tpu.vector_store %arg11[%swap3A_217], %add3A_214 {strides = array<i32>} : memref<8256xi32, #tpu.memory_space<vmem>>, vector<16xi32>,
        %mul3A_219 = arith.constant 256 : i32
        %mul3A_220 = arith.muli %arg1, %mul3A_219 : i32
        %add3A_221 = arith.constant 80 : i32
        %add3A_222 = arith.addi %mul3A_220, %add3A_221 : i32
        %add3A_223 = vector.broadcast %add3A_222 : i32 to vector<16xi32>
        %add3A_224 = arith.addi %add3A_223, %iota3A : vector<16xi32>
        %add3A_225 = arith.constant 80 : i32
        %add3A_226 = arith.addi %scan3A_66, %add3A_225 : i32
        %swap3A_227 = arith.index_cast %add3A_226 : i32 to index
        %swap3A_228 = tpu.vector_load %arg12[%swap3A_227] {strides = array<i32>} : memref<8256xi32, #tpu.memory_space<vmem>>, vector<16xi32>,
        tpu.vector_store %arg12[%swap3A_227], %add3A_224 {strides = array<i32>} : memref<8256xi32, #tpu.memory_space<vmem>>, vector<16xi32>,
        %add3A_229 = arith.constant 6496 : i32
        %add3A_230 = vector.broadcast %add3A_229 : i32 to vector<16xi32>
        %add3A_231 = arith.addi %add3A_230, %iota3A : vector<16xi32>
        %add3A_232 = arith.constant 96 : i32
        %add3A_233 = arith.addi %scan3A_66, %add3A_232 : i32
        %swap3A_234 = arith.index_cast %add3A_233 : i32 to index
        %swap3A_235 = tpu.vector_load %arg10[%swap3A_234] {strides = array<i32>} : memref<8256xi32, #tpu.memory_space<vmem>>, vector<16xi32>,
        tpu.vector_store %arg10[%swap3A_234], %add3A_231 {strides = array<i32>} : memref<8256xi32, #tpu.memory_space<vmem>>, vector<16xi32>,
        %mul3A_236 = arith.constant 256 : i32
        %mul3A_237 = arith.muli %arg1, %mul3A_236 : i32
        %add3A_238 = arith.constant 96 : i32
        %add3A_239 = arith.addi %mul3A_237, %add3A_238 : i32
        %add3A_240 = vector.broadcast %add3A_239 : i32 to vector<16xi32>
        %add3A_241 = arith.addi %add3A_240, %iota3A : vector<16xi32>
        %add3A_242 = arith.constant 96 : i32
        %add3A_243 = arith.addi %scan3A_66, %add3A_242 : i32
        %swap3A_244 = arith.index_cast %add3A_243 : i32 to index
        %swap3A_245 = tpu.vector_load %arg11[%swap3A_244] {strides = array<i32>} : memref<8256xi32, #tpu.memory_space<vmem>>, vector<16xi32>,
        tpu.vector_store %arg11[%swap3A_244], %add3A_241 {strides = array<i32>} : memref<8256xi32, #tpu.memory_space<vmem>>, vector<16xi32>,
        %mul3A_246 = arith.constant 256 : i32
        %mul3A_247 = arith.muli %arg1, %mul3A_246 : i32
        %add3A_248 = arith.constant 96 : i32
        %add3A_249 = arith.addi %mul3A_247, %add3A_248 : i32
        %add3A_250 = vector.broadcast %add3A_249 : i32 to vector<16xi32>
        %add3A_251 = arith.addi %add3A_250, %iota3A : vector<16xi32>
        %add3A_252 = arith.constant 96 : i32
        %add3A_253 = arith.addi %scan3A_66, %add3A_252 : i32
        %swap3A_254 = arith.index_cast %add3A_253 : i32 to index
        %swap3A_255 = tpu.vector_load %arg12[%swap3A_254] {strides = array<i32>} : memref<8256xi32, #tpu.memory_space<vmem>>, vector<16xi32>,
        tpu.vector_store %arg12[%swap3A_254], %add3A_251 {strides = array<i32>} : memref<8256xi32, #tpu.memory_space<vmem>>, vector<16xi32>,
        %add3A_256 = arith.constant 6512 : i32
        %add3A_257 = vector.broadcast %add3A_256 : i32 to vector<16xi32>
        %add3A_258 = arith.addi %add3A_257, %iota3A : vector<16xi32>
        %add3A_259 = arith.constant 112 : i32
        %add3A_260 = arith.addi %scan3A_66, %add3A_259 : i32
        %swap3A_261 = arith.index_cast %add3A_260 : i32 to index
        %swap3A_262 = tpu.vector_load %arg10[%swap3A_261] {strides = array<i32>} : memref<8256xi32, #tpu.memory_space<vmem>>, vector<16xi32>,
        tpu.vector_store %arg10[%swap3A_261], %add3A_258 {strides = array<i32>} : memref<8256xi32, #tpu.memory_space<vmem>>, vector<16xi32>,
        %mul3A_263 = arith.constant 256 : i32
        %mul3A_264 = arith.muli %arg1, %mul3A_263 : i32
        %add3A_265 = arith.constant 112 : i32
        %add3A_266 = arith.addi %mul3A_264, %add3A_265 : i32
        %add3A_267 = vector.broadcast %add3A_266 : i32 to vector<16xi32>
        %add3A_268 = arith.addi %add3A_267, %iota3A : vector<16xi32>
        %add3A_269 = arith.constant 112 : i32
        %add3A_270 = arith.addi %scan3A_66, %add3A_269 : i32
        %swap3A_271 = arith.index_cast %add3A_270 : i32 to index
        %swap3A_272 = tpu.vector_load %arg11[%swap3A_271] {strides = array<i32>} : memref<8256xi32, #tpu.memory_space<vmem>>, vector<16xi32>,
        tpu.vector_store %arg11[%swap3A_271], %add3A_268 {strides = array<i32>} : memref<8256xi32, #tpu.memory_space<vmem>>, vector<16xi32>,
        %mul3A_273 = arith.constant 256 : i32
        %mul3A_274 = arith.muli %arg1, %mul3A_273 : i32
        %add3A_275 = arith.constant 112 : i32
        %add3A_276 = arith.addi %mul3A_274, %add3A_275 : i32
        %add3A_277 = vector.broadcast %add3A_276 : i32 to vector<16xi32>
        %add3A_278 = arith.addi %add3A_277, %iota3A : vector<16xi32>
        %add3A_279 = arith.constant 112 : i32
        %add3A_280 = arith.addi %scan3A_66, %add3A_279 : i32
        %swap3A_281 = arith.index_cast %add3A_280 : i32 to index
        %swap3A_282 = tpu.vector_load %arg12[%swap3A_281] {strides = array<i32>} : memref<8256xi32, #tpu.memory_space<vmem>>, vector<16xi32>,
        tpu.vector_store %arg12[%swap3A_281], %add3A_278 {strides = array<i32>} : memref<8256xi32, #tpu.memory_space<vmem>>, vector<16xi32>,
        %add3A_283 = arith.constant 128 : i32
        %add3A_284 = arith.addi %scan3A_66, %add3A_283 : i32
        %sub3A = arith.constant 1 : i32
        %sub3A_285 = arith.subi %add3A_284, %sub3A : i32
        %shift_right_arithmetic3A = arith.constant 7 : i32
        %shift_right_arithmetic3A_286 = arith.shrsi %sub3A_285, %shift_right_arithmetic3A : i32
        %while3A = arith.constant 0 : i32
        %while3A_287 = arith.constant 0 : i32
        %while3A_288 = arith.subi %shift_right_arithmetic3A_286, %while3A : i32
        %while3A_289 = arith.addi %while3A, %while3A_288 : i32
        %while3A_290 = arith.constant 1 : i32
        %while3A_291 = arith.divsi %while3A_288, %while3A_290 : i32
        %while3A_292 = arith.muli %while3A_291, %while3A_290 : i32
        %while3A_293 = arith.addi %while3A, %while3A_292 : i32
        %while3A_294 = arith.constant 1 : i32
        %while3A_295 = scf.for %while3A_299 = %while3A to %while3A_293 step %while3A_294 iter_args(%while3A_300 = %while3A_287) -> (i32)  : i32 {
          %mul3A_301 = arith.constant 128 : i32
          %mul3A_302 = arith.muli %while3A_299, %mul3A_301 : i32
          "tpu.region"() ({
            %run_scoped3A_374 = tpu.sem_alloc : memref<!tpu.dma_semaphore, #tpu.memory_space<semaphore_mem>>
            %dma_start3A = tpu.memref_slice %arg11[%mul3A_302] : memref<8256xi32, #tpu.memory_space<vmem>> -> memref<128xi32, #tpu.memory_space<vmem>>
            %dma_start3A_375 = arith.constant 0 : i32
            %dma_start3A_376 = arith.constant 0 : i32
            %dma_start3A_377 = tpu.memref_slice %arg2[%dma_start3A_375, %dma_start3A_376] : memref<320000x128xf32, #tpu.memory_space<hbm>> -> memref<320000x128xf32, #tpu.memory_space<hbm>>
            tpu.enqueue_indirect_dma source(%dma_start3A_377 : memref<320000x128xf32, #tpu.memory_space<hbm>>) target(%arg14 : memref<128x128xf32, #tpu.memory_space<vmem>>) offsets(%dma_start3A : memref<128xi32, #tpu.memory_space<vmem>>) semaphore(%run_scoped3A_374 : memref<!tpu.dma_semaphore, #tpu.memory_space<semaphore_mem>>)
            %dma_wait3A = tpu.memref_slice %arg11[%mul3A_302] : memref<8256xi32, #tpu.memory_space<vmem>> -> memref<128xi32, #tpu.memory_space<vmem>>
            %dma_wait3A_378 = arith.constant 0 : i32
            %dma_wait3A_379 = arith.constant 0 : i32
            %dma_wait3A_380 = tpu.memref_slice %arg2[%dma_wait3A_378, %dma_wait3A_379] : memref<320000x128xf32, #tpu.memory_space<hbm>> -> memref<320000x128xf32, #tpu.memory_space<hbm>>
            tpu.wait_indirect_dma semaphore(%run_scoped3A_374 : memref<!tpu.dma_semaphore, #tpu.memory_space<semaphore_mem>>) src(%dma_wait3A_380 : memref<320000x128xf32, #tpu.memory_space<hbm>>) dst(%arg14 : memref<128x128xf32, #tpu.memory_space<vmem>>)
            tpu.yield
          }) : () -> ()
          "tpu.region"() ({
            %run_scoped3A_374 = tpu.sem_alloc : memref<!tpu.dma_semaphore, #tpu.memory_space<semaphore_mem>>
            %dma_start3A = tpu.memref_slice %arg12[%mul3A_302] : memref<8256xi32, #tpu.memory_space<vmem>> -> memref<128xi32, #tpu.memory_space<vmem>>
            %dma_start3A_375 = arith.constant 0 : i32
            %dma_start3A_376 = arith.constant 0 : i32
            %dma_start3A_377 = tpu.memref_slice %arg3[%dma_start3A_375, %dma_start3A_376] : memref<640000x128xf32, #tpu.memory_space<hbm>> -> memref<640000x128xf32, #tpu.memory_space<hbm>>
            tpu.enqueue_indirect_dma source(%dma_start3A_377 : memref<640000x128xf32, #tpu.memory_space<hbm>>) target(%arg15 : memref<128x128xf32, #tpu.memory_space<vmem>>) offsets(%dma_start3A : memref<128xi32, #tpu.memory_space<vmem>>) semaphore(%run_scoped3A_374 : memref<!tpu.dma_semaphore, #tpu.memory_space<semaphore_mem>>)
            %dma_wait3A = tpu.memref_slice %arg12[%mul3A_302] : memref<8256xi32, #tpu.memory_space<vmem>> -> memref<128xi32, #tpu.memory_space<vmem>>
            %dma_wait3A_378 = arith.constant 0 : i32
            %dma_wait3A_379 = arith.constant 0 : i32
            %dma_wait3A_380 = tpu.memref_slice %arg3[%dma_wait3A_378, %dma_wait3A_379] : memref<640000x128xf32, #tpu.memory_space<hbm>> -> memref<640000x128xf32, #tpu.memory_space<hbm>>
            tpu.wait_indirect_dma semaphore(%run_scoped3A_374 : memref<!tpu.dma_semaphore, #tpu.memory_space<semaphore_mem>>) src(%dma_wait3A_380 : memref<640000x128xf32, #tpu.memory_space<hbm>>) dst(%arg15 : memref<128x128xf32, #tpu.memory_space<vmem>>)
            tpu.yield
          }) : () -> ()
          %scan3A_303 = arith.constant 0 : i32
          %scan3A_304 = arith.constant 0 : i32
          %scan3A_305 = arith.constant 128 : i32
          %scan3A_306 = arith.addi %scan3A_304, %scan3A_305 : i32
          %scan3A_307 = arith.constant 1 : i32
          %scan3A_308 = scf.for %scan3A_374 = %scan3A_304 to %scan3A_306 step %scan3A_307 iter_args(%scan3A_375 = %scan3A_303) -> (i32)  : i32 {
            %get3A_376 = arith.index_cast %scan3A_374 : i32 to index
            %get3A_377 = arith.constant 0 : index
            %get3A_378 = tpu.vector_load %arg14[%get3A_376, %get3A_377] {strides = array<i32>} : memref<128x128xf32, #tpu.memory_space<vmem>>, vector<16xf32>,
            %get3A_379 = arith.index_cast %scan3A_374 : i32 to index
            %get3A_380 = arith.constant 0 : index
            %get3A_381 = tpu.vector_load %arg15[%get3A_379, %get3A_380] {strides = array<i32>} : memref<128x128xf32, #tpu.memory_space<vmem>>, vector<16xf32>,
            %mul3A_382 = arith.mulf %get3A_378, %get3A_381 : vector<16xf32>
            %swap3A_383 = arith.index_cast %scan3A_374 : i32 to index
            %swap3A_384 = arith.constant 0 : index
            %swap3A_385 = tpu.vector_load %arg16[%swap3A_383, %swap3A_384] {strides = array<i32>} : memref<128x64xf32, #tpu.memory_space<vmem>>, vector<16xf32>,
            tpu.vector_store %arg16[%swap3A_383, %swap3A_384], %mul3A_382 {strides = array<i32>} : memref<128x64xf32, #tpu.memory_space<vmem>>, vector<16xf32>,
            %get3A_386 = arith.index_cast %scan3A_374 : i32 to index
            %get3A_387 = arith.constant 16 : index
            %get3A_388 = tpu.vector_load %arg14[%get3A_386, %get3A_387] {strides = array<i32>} : memref<128x128xf32, #tpu.memory_space<vmem>>, vector<16xf32>,
            %get3A_389 = arith.index_cast %scan3A_374 : i32 to index
            %get3A_390 = arith.constant 16 : index
            %get3A_391 = tpu.vector_load %arg15[%get3A_389, %get3A_390] {strides = array<i32>} : memref<128x128xf32, #tpu.memory_space<vmem>>, vector<16xf32>,
            %mul3A_392 = arith.mulf %get3A_388, %get3A_391 : vector<16xf32>
            %swap3A_393 = arith.index_cast %scan3A_374 : i32 to index
            %swap3A_394 = arith.constant 16 : index
            %swap3A_395 = tpu.vector_load %arg16[%swap3A_393, %swap3A_394] {strides = array<i32>} : memref<128x64xf32, #tpu.memory_space<vmem>>, vector<16xf32>,
            tpu.vector_store %arg16[%swap3A_393, %swap3A_394], %mul3A_392 {strides = array<i32>} : memref<128x64xf32, #tpu.memory_space<vmem>>, vector<16xf32>,
            %get3A_396 = arith.index_cast %scan3A_374 : i32 to index
            %get3A_397 = arith.constant 32 : index
            %get3A_398 = tpu.vector_load %arg14[%get3A_396, %get3A_397] {strides = array<i32>} : memref<128x128xf32, #tpu.memory_space<vmem>>, vector<16xf32>,
            %get3A_399 = arith.index_cast %scan3A_374 : i32 to index
            %get3A_400 = arith.constant 32 : index
            %get3A_401 = tpu.vector_load %arg15[%get3A_399, %get3A_400] {strides = array<i32>} : memref<128x128xf32, #tpu.memory_space<vmem>>, vector<16xf32>,
            %mul3A_402 = arith.mulf %get3A_398, %get3A_401 : vector<16xf32>
            %swap3A_403 = arith.index_cast %scan3A_374 : i32 to index
            %swap3A_404 = arith.constant 32 : index
            %swap3A_405 = tpu.vector_load %arg16[%swap3A_403, %swap3A_404] {strides = array<i32>} : memref<128x64xf32, #tpu.memory_space<vmem>>, vector<16xf32>,
            tpu.vector_store %arg16[%swap3A_403, %swap3A_404], %mul3A_402 {strides = array<i32>} : memref<128x64xf32, #tpu.memory_space<vmem>>, vector<16xf32>,
            %get3A_406 = arith.index_cast %scan3A_374 : i32 to index
            %get3A_407 = arith.constant 48 : index
            %get3A_408 = tpu.vector_load %arg14[%get3A_406, %get3A_407] {strides = array<i32>} : memref<128x128xf32, #tpu.memory_space<vmem>>, vector<16xf32>,
            %get3A_409 = arith.index_cast %scan3A_374 : i32 to index
            %get3A_410 = arith.constant 48 : index
            %get3A_411 = tpu.vector_load %arg15[%get3A_409, %get3A_410] {strides = array<i32>} : memref<128x128xf32, #tpu.memory_space<vmem>>, vector<16xf32>,
            %mul3A_412 = arith.mulf %get3A_408, %get3A_411 : vector<16xf32>
            %swap3A_413 = arith.index_cast %scan3A_374 : i32 to index
            %swap3A_414 = arith.constant 48 : index
            %swap3A_415 = tpu.vector_load %arg16[%swap3A_413, %swap3A_414] {strides = array<i32>} : memref<128x64xf32, #tpu.memory_space<vmem>>, vector<16xf32>,
            tpu.vector_store %arg16[%swap3A_413, %swap3A_414], %mul3A_412 {strides = array<i32>} : memref<128x64xf32, #tpu.memory_space<vmem>>, vector<16xf32>,
            %scan3A_416 = arith.constant 0 : i32
            scf.yield %scan3A_416 : i32
          }
          %scan3A_309 = arith.constant 128 : i32
          %add3A_310 = arith.constant 0 : i32
          %add3A_311 = arith.addi %mul3A_302, %add3A_310 : i32
          %get3A = arith.index_cast %add3A_311 : i32 to index
          %get3A_312 = tpu.vector_load %arg10[%get3A] {strides = array<i32>} : memref<8256xi32, #tpu.memory_space<vmem>>, vector<16xi32>,
          %swap3A_313 = arith.constant 0 : i32
          %swap3A_314 = arith.index_cast %swap3A_313 : i32 to index
          %swap3A_315 = arith.constant 0 : index
          %swap3A_316 = tpu.vector_load %arg13[%swap3A_314, %swap3A_315] {strides = array<i32>} : memref<1x128xi32, #tpu.memory_space<vmem>>, vector<16xi32>,
          tpu.vector_store %arg13[%swap3A_314, %swap3A_315], %get3A_312 {strides = array<i32>} : memref<1x128xi32, #tpu.memory_space<vmem>>, vector<16xi32>,
          %add3A_317 = arith.constant 16 : i32
          %add3A_318 = arith.addi %mul3A_302, %add3A_317 : i32
          %get3A_319 = arith.index_cast %add3A_318 : i32 to index
          %get3A_320 = tpu.vector_load %arg10[%get3A_319] {strides = array<i32>} : memref<8256xi32, #tpu.memory_space<vmem>>, vector<16xi32>,
          %swap3A_321 = arith.constant 0 : i32
          %swap3A_322 = arith.index_cast %swap3A_321 : i32 to index
          %swap3A_323 = arith.constant 16 : index
          %swap3A_324 = tpu.vector_load %arg13[%swap3A_322, %swap3A_323] {strides = array<i32>} : memref<1x128xi32, #tpu.memory_space<vmem>>, vector<16xi32>,
          tpu.vector_store %arg13[%swap3A_322, %swap3A_323], %get3A_320 {strides = array<i32>} : memref<1x128xi32, #tpu.memory_space<vmem>>, vector<16xi32>,
          %add3A_325 = arith.constant 32 : i32
          %add3A_326 = arith.addi %mul3A_302, %add3A_325 : i32
          %get3A_327 = arith.index_cast %add3A_326 : i32 to index
          %get3A_328 = tpu.vector_load %arg10[%get3A_327] {strides = array<i32>} : memref<8256xi32, #tpu.memory_space<vmem>>, vector<16xi32>,
          %swap3A_329 = arith.constant 0 : i32
          %swap3A_330 = arith.index_cast %swap3A_329 : i32 to index
          %swap3A_331 = arith.constant 32 : index
          %swap3A_332 = tpu.vector_load %arg13[%swap3A_330, %swap3A_331] {strides = array<i32>} : memref<1x128xi32, #tpu.memory_space<vmem>>, vector<16xi32>,
          tpu.vector_store %arg13[%swap3A_330, %swap3A_331], %get3A_328 {strides = array<i32>} : memref<1x128xi32, #tpu.memory_space<vmem>>, vector<16xi32>,
          %add3A_333 = arith.constant 48 : i32
          %add3A_334 = arith.addi %mul3A_302, %add3A_333 : i32
          %get3A_335 = arith.index_cast %add3A_334 : i32 to index
          %get3A_336 = tpu.vector_load %arg10[%get3A_335] {strides = array<i32>} : memref<8256xi32, #tpu.memory_space<vmem>>, vector<16xi32>,
          %swap3A_337 = arith.constant 0 : i32
          %swap3A_338 = arith.index_cast %swap3A_337 : i32 to index
          %swap3A_339 = arith.constant 48 : index
          %swap3A_340 = tpu.vector_load %arg13[%swap3A_338, %swap3A_339] {strides = array<i32>} : memref<1x128xi32, #tpu.memory_space<vmem>>, vector<16xi32>,
          tpu.vector_store %arg13[%swap3A_338, %swap3A_339], %get3A_336 {strides = array<i32>} : memref<1x128xi32, #tpu.memory_space<vmem>>, vector<16xi32>,
          %add3A_341 = arith.constant 64 : i32
          %add3A_342 = arith.addi %mul3A_302, %add3A_341 : i32
          %get3A_343 = arith.index_cast %add3A_342 : i32 to index
          %get3A_344 = tpu.vector_load %arg10[%get3A_343] {strides = array<i32>} : memref<8256xi32, #tpu.memory_space<vmem>>, vector<16xi32>,
          %swap3A_345 = arith.constant 0 : i32
          %swap3A_346 = arith.index_cast %swap3A_345 : i32 to index
          %swap3A_347 = arith.constant 64 : index
          %swap3A_348 = tpu.vector_load %arg13[%swap3A_346, %swap3A_347] {strides = array<i32>} : memref<1x128xi32, #tpu.memory_space<vmem>>, vector<16xi32>,
          tpu.vector_store %arg13[%swap3A_346, %swap3A_347], %get3A_344 {strides = array<i32>} : memref<1x128xi32, #tpu.memory_space<vmem>>, vector<16xi32>,
          %add3A_349 = arith.constant 80 : i32
          %add3A_350 = arith.addi %mul3A_302, %add3A_349 : i32
          %get3A_351 = arith.index_cast %add3A_350 : i32 to index
          %get3A_352 = tpu.vector_load %arg10[%get3A_351] {strides = array<i32>} : memref<8256xi32, #tpu.memory_space<vmem>>, vector<16xi32>,
          %swap3A_353 = arith.constant 0 : i32
          %swap3A_354 = arith.index_cast %swap3A_353 : i32 to index
          %swap3A_355 = arith.constant 80 : index
          %swap3A_356 = tpu.vector_load %arg13[%swap3A_354, %swap3A_355] {strides = array<i32>} : memref<1x128xi32, #tpu.memory_space<vmem>>, vector<16xi32>,
          tpu.vector_store %arg13[%swap3A_354, %swap3A_355], %get3A_352 {strides = array<i32>} : memref<1x128xi32, #tpu.memory_space<vmem>>, vector<16xi32>,
          %add3A_357 = arith.constant 96 : i32
          %add3A_358 = arith.addi %mul3A_302, %add3A_357 : i32
          %get3A_359 = arith.index_cast %add3A_358 : i32 to index
          %get3A_360 = tpu.vector_load %arg10[%get3A_359] {strides = array<i32>} : memref<8256xi32, #tpu.memory_space<vmem>>, vector<16xi32>,
          %swap3A_361 = arith.constant 0 : i32
          %swap3A_362 = arith.index_cast %swap3A_361 : i32 to index
          %swap3A_363 = arith.constant 96 : index
          %swap3A_364 = tpu.vector_load %arg13[%swap3A_362, %swap3A_363] {strides = array<i32>} : memref<1x128xi32, #tpu.memory_space<vmem>>, vector<16xi32>,
          tpu.vector_store %arg13[%swap3A_362, %swap3A_363], %get3A_360 {strides = array<i32>} : memref<1x128xi32, #tpu.memory_space<vmem>>, vector<16xi32>,
          %add3A_365 = arith.constant 112 : i32
          %add3A_366 = arith.addi %mul3A_302, %add3A_365 : i32
          %get3A_367 = arith.index_cast %add3A_366 : i32 to index
          %get3A_368 = tpu.vector_load %arg10[%get3A_367] {strides = array<i32>} : memref<8256xi32, #tpu.memory_space<vmem>>, vector<16xi32>,
          %swap3A_369 = arith.constant 0 : i32
          %swap3A_370 = arith.index_cast %swap3A_369 : i32 to index
          %swap3A_371 = arith.constant 112 : index
          %swap3A_372 = tpu.vector_load %arg13[%swap3A_370, %swap3A_371] {strides = array<i32>} : memref<1x128xi32, #tpu.memory_space<vmem>>, vector<16xi32>,
          tpu.vector_store %arg13[%swap3A_370, %swap3A_371], %get3A_368 {strides = array<i32>} : memref<1x128xi32, #tpu.memory_space<vmem>>, vector<16xi32>,
          %run_scoped3A = arith.constant 0 : i32
          "tpu.region"() ({
            %run_scoped3A_374 = tpu.sem_alloc : memref<!tpu.dma_semaphore, #tpu.memory_space<semaphore_mem>>
            %dma_start3A = arith.constant 0 : i32
            %dma_start3A_375 = tpu.memref_slice %arg13[%run_scoped3A, %dma_start3A] : memref<1x128xi32, #tpu.memory_space<vmem>> -> memref<1x128xi32, #tpu.memory_space<vmem>>
            %dma_start3A_376 = tpu.memref_squeeze %dma_start3A_375 : memref<1x128xi32, #tpu.memory_space<vmem>> -> memref<128xi32, #tpu.memory_space<vmem>>
            %dma_start3A_377 = arith.constant 0 : i32
            %dma_start3A_378 = arith.constant 0 : i32
            %dma_start3A_379 = tpu.memref_slice %arg7[%dma_start3A_377, %dma_start3A_378] : memref<6656x64xf32, #tpu.memory_space<vmem_shared>> -> memref<6656x64xf32, #tpu.memory_space<vmem_shared>>
            tpu.enqueue_indirect_dma source(%arg16 : memref<128x64xf32, #tpu.memory_space<vmem>>) target(%dma_start3A_379 : memref<6656x64xf32, #tpu.memory_space<vmem_shared>>) offsets(%dma_start3A_376 : memref<128xi32, #tpu.memory_space<vmem>>) semaphore(%run_scoped3A_374 : memref<!tpu.dma_semaphore, #tpu.memory_space<semaphore_mem>>) {add = true}
            %dma_wait3A = arith.constant 0 : i32
            %dma_wait3A_380 = tpu.memref_slice %arg13[%run_scoped3A, %dma_wait3A] : memref<1x128xi32, #tpu.memory_space<vmem>> -> memref<1x128xi32, #tpu.memory_space<vmem>>
            %dma_wait3A_381 = tpu.memref_squeeze %dma_wait3A_380 : memref<1x128xi32, #tpu.memory_space<vmem>> -> memref<128xi32, #tpu.memory_space<vmem>>
            %dma_wait3A_382 = arith.constant 0 : i32
            %dma_wait3A_383 = arith.constant 0 : i32
            %dma_wait3A_384 = tpu.memref_slice %arg7[%dma_wait3A_382, %dma_wait3A_383] : memref<6656x64xf32, #tpu.memory_space<vmem_shared>> -> memref<6656x64xf32, #tpu.memory_space<vmem_shared>>
            tpu.wait_indirect_dma semaphore(%run_scoped3A_374 : memref<!tpu.dma_semaphore, #tpu.memory_space<semaphore_mem>>) src(%arg16 : memref<128x64xf32, #tpu.memory_space<vmem>>) dst(%dma_wait3A_384 : memref<6656x64xf32, #tpu.memory_space<vmem_shared>>)
            tpu.yield
          }) : () -> ()
          %while3A_373 = arith.constant 0 : i32
          scf.yield %while3A_373 : i32
        }
        %while3A_296 = arith.constant 1 : i32
        %while3A_297 = scf.for %while3A_299 = %while3A_293 to %while3A_289 step %while3A_296 iter_args(%while3A_300 = %while3A_295) -> (i32)  : i32 {
          %mul3A_301 = arith.constant 128 : i32
          %mul3A_302 = arith.muli %while3A_299, %mul3A_301 : i32
          "tpu.region"() ({
            %run_scoped3A_374 = tpu.sem_alloc : memref<!tpu.dma_semaphore, #tpu.memory_space<semaphore_mem>>
            %dma_start3A = tpu.memref_slice %arg11[%mul3A_302] : memref<8256xi32, #tpu.memory_space<vmem>> -> memref<128xi32, #tpu.memory_space<vmem>>
            %dma_start3A_375 = arith.constant 0 : i32
            %dma_start3A_376 = arith.constant 0 : i32
            %dma_start3A_377 = tpu.memref_slice %arg2[%dma_start3A_375, %dma_start3A_376] : memref<320000x128xf32, #tpu.memory_space<hbm>> -> memref<320000x128xf32, #tpu.memory_space<hbm>>
            tpu.enqueue_indirect_dma source(%dma_start3A_377 : memref<320000x128xf32, #tpu.memory_space<hbm>>) target(%arg14 : memref<128x128xf32, #tpu.memory_space<vmem>>) offsets(%dma_start3A : memref<128xi32, #tpu.memory_space<vmem>>) semaphore(%run_scoped3A_374 : memref<!tpu.dma_semaphore, #tpu.memory_space<semaphore_mem>>)
            %dma_wait3A = tpu.memref_slice %arg11[%mul3A_302] : memref<8256xi32, #tpu.memory_space<vmem>> -> memref<128xi32, #tpu.memory_space<vmem>>
            %dma_wait3A_378 = arith.constant 0 : i32
            %dma_wait3A_379 = arith.constant 0 : i32
            %dma_wait3A_380 = tpu.memref_slice %arg2[%dma_wait3A_378, %dma_wait3A_379] : memref<320000x128xf32, #tpu.memory_space<hbm>> -> memref<320000x128xf32, #tpu.memory_space<hbm>>
            tpu.wait_indirect_dma semaphore(%run_scoped3A_374 : memref<!tpu.dma_semaphore, #tpu.memory_space<semaphore_mem>>) src(%dma_wait3A_380 : memref<320000x128xf32, #tpu.memory_space<hbm>>) dst(%arg14 : memref<128x128xf32, #tpu.memory_space<vmem>>)
            tpu.yield
          }) : () -> ()
          "tpu.region"() ({
            %run_scoped3A_374 = tpu.sem_alloc : memref<!tpu.dma_semaphore, #tpu.memory_space<semaphore_mem>>
            %dma_start3A = tpu.memref_slice %arg12[%mul3A_302] : memref<8256xi32, #tpu.memory_space<vmem>> -> memref<128xi32, #tpu.memory_space<vmem>>
            %dma_start3A_375 = arith.constant 0 : i32
            %dma_start3A_376 = arith.constant 0 : i32
            %dma_start3A_377 = tpu.memref_slice %arg3[%dma_start3A_375, %dma_start3A_376] : memref<640000x128xf32, #tpu.memory_space<hbm>> -> memref<640000x128xf32, #tpu.memory_space<hbm>>
            tpu.enqueue_indirect_dma source(%dma_start3A_377 : memref<640000x128xf32, #tpu.memory_space<hbm>>) target(%arg15 : memref<128x128xf32, #tpu.memory_space<vmem>>) offsets(%dma_start3A : memref<128xi32, #tpu.memory_space<vmem>>) semaphore(%run_scoped3A_374 : memref<!tpu.dma_semaphore, #tpu.memory_space<semaphore_mem>>)
            %dma_wait3A = tpu.memref_slice %arg12[%mul3A_302] : memref<8256xi32, #tpu.memory_space<vmem>> -> memref<128xi32, #tpu.memory_space<vmem>>
            %dma_wait3A_378 = arith.constant 0 : i32
            %dma_wait3A_379 = arith.constant 0 : i32
            %dma_wait3A_380 = tpu.memref_slice %arg3[%dma_wait3A_378, %dma_wait3A_379] : memref<640000x128xf32, #tpu.memory_space<hbm>> -> memref<640000x128xf32, #tpu.memory_space<hbm>>
            tpu.wait_indirect_dma semaphore(%run_scoped3A_374 : memref<!tpu.dma_semaphore, #tpu.memory_space<semaphore_mem>>) src(%dma_wait3A_380 : memref<640000x128xf32, #tpu.memory_space<hbm>>) dst(%arg15 : memref<128x128xf32, #tpu.memory_space<vmem>>)
            tpu.yield
          }) : () -> ()
          %scan3A_303 = arith.constant 0 : i32
          %scan3A_304 = arith.constant 0 : i32
          %scan3A_305 = arith.constant 128 : i32
          %scan3A_306 = arith.addi %scan3A_304, %scan3A_305 : i32
          %scan3A_307 = arith.constant 1 : i32
          %scan3A_308 = scf.for %scan3A_374 = %scan3A_304 to %scan3A_306 step %scan3A_307 iter_args(%scan3A_375 = %scan3A_303) -> (i32)  : i32 {
            %get3A_376 = arith.index_cast %scan3A_374 : i32 to index
            %get3A_377 = arith.constant 0 : index
            %get3A_378 = tpu.vector_load %arg14[%get3A_376, %get3A_377] {strides = array<i32>} : memref<128x128xf32, #tpu.memory_space<vmem>>, vector<16xf32>,
            %get3A_379 = arith.index_cast %scan3A_374 : i32 to index
            %get3A_380 = arith.constant 0 : index
            %get3A_381 = tpu.vector_load %arg15[%get3A_379, %get3A_380] {strides = array<i32>} : memref<128x128xf32, #tpu.memory_space<vmem>>, vector<16xf32>,
            %mul3A_382 = arith.mulf %get3A_378, %get3A_381 : vector<16xf32>
            %swap3A_383 = arith.index_cast %scan3A_374 : i32 to index
            %swap3A_384 = arith.constant 0 : index
            %swap3A_385 = tpu.vector_load %arg16[%swap3A_383, %swap3A_384] {strides = array<i32>} : memref<128x64xf32, #tpu.memory_space<vmem>>, vector<16xf32>,
            tpu.vector_store %arg16[%swap3A_383, %swap3A_384], %mul3A_382 {strides = array<i32>} : memref<128x64xf32, #tpu.memory_space<vmem>>, vector<16xf32>,
            %get3A_386 = arith.index_cast %scan3A_374 : i32 to index
            %get3A_387 = arith.constant 16 : index
            %get3A_388 = tpu.vector_load %arg14[%get3A_386, %get3A_387] {strides = array<i32>} : memref<128x128xf32, #tpu.memory_space<vmem>>, vector<16xf32>,
            %get3A_389 = arith.index_cast %scan3A_374 : i32 to index
            %get3A_390 = arith.constant 16 : index
            %get3A_391 = tpu.vector_load %arg15[%get3A_389, %get3A_390] {strides = array<i32>} : memref<128x128xf32, #tpu.memory_space<vmem>>, vector<16xf32>,
            %mul3A_392 = arith.mulf %get3A_388, %get3A_391 : vector<16xf32>
            %swap3A_393 = arith.index_cast %scan3A_374 : i32 to index
            %swap3A_394 = arith.constant 16 : index
            %swap3A_395 = tpu.vector_load %arg16[%swap3A_393, %swap3A_394] {strides = array<i32>} : memref<128x64xf32, #tpu.memory_space<vmem>>, vector<16xf32>,
            tpu.vector_store %arg16[%swap3A_393, %swap3A_394], %mul3A_392 {strides = array<i32>} : memref<128x64xf32, #tpu.memory_space<vmem>>, vector<16xf32>,
            %get3A_396 = arith.index_cast %scan3A_374 : i32 to index
            %get3A_397 = arith.constant 32 : index
            %get3A_398 = tpu.vector_load %arg14[%get3A_396, %get3A_397] {strides = array<i32>} : memref<128x128xf32, #tpu.memory_space<vmem>>, vector<16xf32>,
            %get3A_399 = arith.index_cast %scan3A_374 : i32 to index
            %get3A_400 = arith.constant 32 : index
            %get3A_401 = tpu.vector_load %arg15[%get3A_399, %get3A_400] {strides = array<i32>} : memref<128x128xf32, #tpu.memory_space<vmem>>, vector<16xf32>,
            %mul3A_402 = arith.mulf %get3A_398, %get3A_401 : vector<16xf32>
            %swap3A_403 = arith.index_cast %scan3A_374 : i32 to index
            %swap3A_404 = arith.constant 32 : index
            %swap3A_405 = tpu.vector_load %arg16[%swap3A_403, %swap3A_404] {strides = array<i32>} : memref<128x64xf32, #tpu.memory_space<vmem>>, vector<16xf32>,
            tpu.vector_store %arg16[%swap3A_403, %swap3A_404], %mul3A_402 {strides = array<i32>} : memref<128x64xf32, #tpu.memory_space<vmem>>, vector<16xf32>,
            %get3A_406 = arith.index_cast %scan3A_374 : i32 to index
            %get3A_407 = arith.constant 48 : index
            %get3A_408 = tpu.vector_load %arg14[%get3A_406, %get3A_407] {strides = array<i32>} : memref<128x128xf32, #tpu.memory_space<vmem>>, vector<16xf32>,
            %get3A_409 = arith.index_cast %scan3A_374 : i32 to index
            %get3A_410 = arith.constant 48 : index
            %get3A_411 = tpu.vector_load %arg15[%get3A_409, %get3A_410] {strides = array<i32>} : memref<128x128xf32, #tpu.memory_space<vmem>>, vector<16xf32>,
            %mul3A_412 = arith.mulf %get3A_408, %get3A_411 : vector<16xf32>
            %swap3A_413 = arith.index_cast %scan3A_374 : i32 to index
            %swap3A_414 = arith.constant 48 : index
            %swap3A_415 = tpu.vector_load %arg16[%swap3A_413, %swap3A_414] {strides = array<i32>} : memref<128x64xf32, #tpu.memory_space<vmem>>, vector<16xf32>,
            tpu.vector_store %arg16[%swap3A_413, %swap3A_414], %mul3A_412 {strides = array<i32>} : memref<128x64xf32, #tpu.memory_space<vmem>>, vector<16xf32>,
            %scan3A_416 = arith.constant 0 : i32
            scf.yield %scan3A_416 : i32
          }
          %scan3A_309 = arith.constant 128 : i32
          %add3A_310 = arith.constant 0 : i32
          %add3A_311 = arith.addi %mul3A_302, %add3A_310 : i32
          %get3A = arith.index_cast %add3A_311 : i32 to index
          %get3A_312 = tpu.vector_load %arg10[%get3A] {strides = array<i32>} : memref<8256xi32, #tpu.memory_space<vmem>>, vector<16xi32>,
          %swap3A_313 = arith.constant 0 : i32
          %swap3A_314 = arith.index_cast %swap3A_313 : i32 to index
          %swap3A_315 = arith.constant 0 : index
          %swap3A_316 = tpu.vector_load %arg13[%swap3A_314, %swap3A_315] {strides = array<i32>} : memref<1x128xi32, #tpu.memory_space<vmem>>, vector<16xi32>,
          tpu.vector_store %arg13[%swap3A_314, %swap3A_315], %get3A_312 {strides = array<i32>} : memref<1x128xi32, #tpu.memory_space<vmem>>, vector<16xi32>,
          %add3A_317 = arith.constant 16 : i32
          %add3A_318 = arith.addi %mul3A_302, %add3A_317 : i32
          %get3A_319 = arith.index_cast %add3A_318 : i32 to index
          %get3A_320 = tpu.vector_load %arg10[%get3A_319] {strides = array<i32>} : memref<8256xi32, #tpu.memory_space<vmem>>, vector<16xi32>,
          %swap3A_321 = arith.constant 0 : i32
          %swap3A_322 = arith.index_cast %swap3A_321 : i32 to index
          %swap3A_323 = arith.constant 16 : index
          %swap3A_324 = tpu.vector_load %arg13[%swap3A_322, %swap3A_323] {strides = array<i32>} : memref<1x128xi32, #tpu.memory_space<vmem>>, vector<16xi32>,
          tpu.vector_store %arg13[%swap3A_322, %swap3A_323], %get3A_320 {strides = array<i32>} : memref<1x128xi32, #tpu.memory_space<vmem>>, vector<16xi32>,
          %add3A_325 = arith.constant 32 : i32
          %add3A_326 = arith.addi %mul3A_302, %add3A_325 : i32
          %get3A_327 = arith.index_cast %add3A_326 : i32 to index
          %get3A_328 = tpu.vector_load %arg10[%get3A_327] {strides = array<i32>} : memref<8256xi32, #tpu.memory_space<vmem>>, vector<16xi32>,
          %swap3A_329 = arith.constant 0 : i32
          %swap3A_330 = arith.index_cast %swap3A_329 : i32 to index
          %swap3A_331 = arith.constant 32 : index
          %swap3A_332 = tpu.vector_load %arg13[%swap3A_330, %swap3A_331] {strides = array<i32>} : memref<1x128xi32, #tpu.memory_space<vmem>>, vector<16xi32>,
          tpu.vector_store %arg13[%swap3A_330, %swap3A_331], %get3A_328 {strides = array<i32>} : memref<1x128xi32, #tpu.memory_space<vmem>>, vector<16xi32>,
          %add3A_333 = arith.constant 48 : i32
          %add3A_334 = arith.addi %mul3A_302, %add3A_333 : i32
          %get3A_335 = arith.index_cast %add3A_334 : i32 to index
          %get3A_336 = tpu.vector_load %arg10[%get3A_335] {strides = array<i32>} : memref<8256xi32, #tpu.memory_space<vmem>>, vector<16xi32>,
          %swap3A_337 = arith.constant 0 : i32
          %swap3A_338 = arith.index_cast %swap3A_337 : i32 to index
          %swap3A_339 = arith.constant 48 : index
          %swap3A_340 = tpu.vector_load %arg13[%swap3A_338, %swap3A_339] {strides = array<i32>} : memref<1x128xi32, #tpu.memory_space<vmem>>, vector<16xi32>,
          tpu.vector_store %arg13[%swap3A_338, %swap3A_339], %get3A_336 {strides = array<i32>} : memref<1x128xi32, #tpu.memory_space<vmem>>, vector<16xi32>,
          %add3A_341 = arith.constant 64 : i32
          %add3A_342 = arith.addi %mul3A_302, %add3A_341 : i32
          %get3A_343 = arith.index_cast %add3A_342 : i32 to index
          %get3A_344 = tpu.vector_load %arg10[%get3A_343] {strides = array<i32>} : memref<8256xi32, #tpu.memory_space<vmem>>, vector<16xi32>,
          %swap3A_345 = arith.constant 0 : i32
          %swap3A_346 = arith.index_cast %swap3A_345 : i32 to index
          %swap3A_347 = arith.constant 64 : index
          %swap3A_348 = tpu.vector_load %arg13[%swap3A_346, %swap3A_347] {strides = array<i32>} : memref<1x128xi32, #tpu.memory_space<vmem>>, vector<16xi32>,
          tpu.vector_store %arg13[%swap3A_346, %swap3A_347], %get3A_344 {strides = array<i32>} : memref<1x128xi32, #tpu.memory_space<vmem>>, vector<16xi32>,
          %add3A_349 = arith.constant 80 : i32
          %add3A_350 = arith.addi %mul3A_302, %add3A_349 : i32
          %get3A_351 = arith.index_cast %add3A_350 : i32 to index
          %get3A_352 = tpu.vector_load %arg10[%get3A_351] {strides = array<i32>} : memref<8256xi32, #tpu.memory_space<vmem>>, vector<16xi32>,
          %swap3A_353 = arith.constant 0 : i32
          %swap3A_354 = arith.index_cast %swap3A_353 : i32 to index
          %swap3A_355 = arith.constant 80 : index
          %swap3A_356 = tpu.vector_load %arg13[%swap3A_354, %swap3A_355] {strides = array<i32>} : memref<1x128xi32, #tpu.memory_space<vmem>>, vector<16xi32>,
          tpu.vector_store %arg13[%swap3A_354, %swap3A_355], %get3A_352 {strides = array<i32>} : memref<1x128xi32, #tpu.memory_space<vmem>>, vector<16xi32>,
          %add3A_357 = arith.constant 96 : i32
          %add3A_358 = arith.addi %mul3A_302, %add3A_357 : i32
          %get3A_359 = arith.index_cast %add3A_358 : i32 to index
          %get3A_360 = tpu.vector_load %arg10[%get3A_359] {strides = array<i32>} : memref<8256xi32, #tpu.memory_space<vmem>>, vector<16xi32>,
          %swap3A_361 = arith.constant 0 : i32
          %swap3A_362 = arith.index_cast %swap3A_361 : i32 to index
          %swap3A_363 = arith.constant 96 : index
          %swap3A_364 = tpu.vector_load %arg13[%swap3A_362, %swap3A_363] {strides = array<i32>} : memref<1x128xi32, #tpu.memory_space<vmem>>, vector<16xi32>,
          tpu.vector_store %arg13[%swap3A_362, %swap3A_363], %get3A_360 {strides = array<i32>} : memref<1x128xi32, #tpu.memory_space<vmem>>, vector<16xi32>,
          %add3A_365 = arith.constant 112 : i32
          %add3A_366 = arith.addi %mul3A_302, %add3A_365 : i32
          %get3A_367 = arith.index_cast %add3A_366 : i32 to index
          %get3A_368 = tpu.vector_load %arg10[%get3A_367] {strides = array<i32>} : memref<8256xi32, #tpu.memory_space<vmem>>, vector<16xi32>,
          %swap3A_369 = arith.constant 0 : i32
          %swap3A_370 = arith.index_cast %swap3A_369 : i32 to index
          %swap3A_371 = arith.constant 112 : index
          %swap3A_372 = tpu.vector_load %arg13[%swap3A_370, %swap3A_371] {strides = array<i32>} : memref<1x128xi32, #tpu.memory_space<vmem>>, vector<16xi32>,
          tpu.vector_store %arg13[%swap3A_370, %swap3A_371], %get3A_368 {strides = array<i32>} : memref<1x128xi32, #tpu.memory_space<vmem>>, vector<16xi32>,
          %run_scoped3A = arith.constant 0 : i32
          "tpu.region"() ({
            %run_scoped3A_374 = tpu.sem_alloc : memref<!tpu.dma_semaphore, #tpu.memory_space<semaphore_mem>>
            %dma_start3A = arith.constant 0 : i32
            %dma_start3A_375 = tpu.memref_slice %arg13[%run_scoped3A, %dma_start3A] : memref<1x128xi32, #tpu.memory_space<vmem>> -> memref<1x128xi32, #tpu.memory_space<vmem>>
            %dma_start3A_376 = tpu.memref_squeeze %dma_start3A_375 : memref<1x128xi32, #tpu.memory_space<vmem>> -> memref<128xi32, #tpu.memory_space<vmem>>
            %dma_start3A_377 = arith.constant 0 : i32
            %dma_start3A_378 = arith.constant 0 : i32
            %dma_start3A_379 = tpu.memref_slice %arg7[%dma_start3A_377, %dma_start3A_378] : memref<6656x64xf32, #tpu.memory_space<vmem_shared>> -> memref<6656x64xf32, #tpu.memory_space<vmem_shared>>
            tpu.enqueue_indirect_dma source(%arg16 : memref<128x64xf32, #tpu.memory_space<vmem>>) target(%dma_start3A_379 : memref<6656x64xf32, #tpu.memory_space<vmem_shared>>) offsets(%dma_start3A_376 : memref<128xi32, #tpu.memory_space<vmem>>) semaphore(%run_scoped3A_374 : memref<!tpu.dma_semaphore, #tpu.memory_space<semaphore_mem>>) {add = true}
            %dma_wait3A = arith.constant 0 : i32
            %dma_wait3A_380 = tpu.memref_slice %arg13[%run_scoped3A, %dma_wait3A] : memref<1x128xi32, #tpu.memory_space<vmem>> -> memref<1x128xi32, #tpu.memory_space<vmem>>
            %dma_wait3A_381 = tpu.memref_squeeze %dma_wait3A_380 : memref<1x128xi32, #tpu.memory_space<vmem>> -> memref<128xi32, #tpu.memory_space<vmem>>
            %dma_wait3A_382 = arith.constant 0 : i32
            %dma_wait3A_383 = arith.constant 0 : i32
            %dma_wait3A_384 = tpu.memref_slice %arg7[%dma_wait3A_382, %dma_wait3A_383] : memref<6656x64xf32, #tpu.memory_space<vmem_shared>> -> memref<6656x64xf32, #tpu.memory_space<vmem_shared>>
            tpu.wait_indirect_dma semaphore(%run_scoped3A_374 : memref<!tpu.dma_semaphore, #tpu.memory_space<semaphore_mem>>) src(%arg16 : memref<128x64xf32, #tpu.memory_space<vmem>>) dst(%dma_wait3A_384 : memref<6656x64xf32, #tpu.memory_space<vmem_shared>>)
            tpu.yield
          }) : () -> ()
          %while3A_373 = arith.constant 0 : i32
          scf.yield %while3A_373 : i32
        }
        %scan3A_298 = arith.constant 0 : i32
        scf.yield %scan3A_298 : i32
      }
      %scan3A_50 = arith.constant 5 : i32
      %barrier3A_51 = arith.constant 0 : index
      tpu.barrier barrier_id(%barrier3A_51)
      %lt3A = arith.constant 8 : i32
      %lt3A_52 = arith.cmpi slt, %arg1, %lt3A : i32
      %convert_element_type3A = arith.extui %lt3A_52 : i1 to i32
      %cond3A = arith.constant 0 : i32
      %cond3A_53 = arith.cmpi ne, %convert_element_type3A, %cond3A : i32
      scf.if %cond3A_53 {
        %mul3A_56 = arith.constant 800 : i32
        %mul3A_57 = arith.muli %arg1, %mul3A_56 : i32
        %mul3A_58 = arith.constant 800 : i32
        %mul3A_59 = arith.muli %arg1, %mul3A_58 : i32
        %add3A_60 = arith.addi %mul3A_27, %mul3A_59 : i32
        "tpu.region"() ({
          %run_scoped3A = tpu.sem_alloc : memref<!tpu.dma_semaphore, #tpu.memory_space<semaphore_mem>>
          %dma_start3A = arith.constant 0 : i32
          %dma_start3A_61 = tpu.memref_slice %arg6[%add3A_60, %dma_start3A] : memref<320000x64xf32, #tpu.memory_space<hbm>> -> memref<800x64xf32, #tpu.memory_space<hbm>>
          %dma_start3A_62 = arith.constant 0 : i32
          %dma_start3A_63 = tpu.memref_slice %arg7[%mul3A_57, %dma_start3A_62] : memref<6656x64xf32, #tpu.memory_space<vmem_shared>> -> memref<800x64xf32, #tpu.memory_space<vmem_shared>>
          tpu.enqueue_dma source(%dma_start3A_63 : memref<800x64xf32, #tpu.memory_space<vmem_shared>>) target(%dma_start3A_61 : memref<800x64xf32, #tpu.memory_space<hbm>>) target_semaphore(%run_scoped3A : memref<!tpu.dma_semaphore, #tpu.memory_space<semaphore_mem>>)
          %dma_wait3A = arith.constant 0 : i32
          %dma_wait3A_64 = tpu.memref_slice %arg6[%add3A_60, %dma_wait3A] : memref<320000x64xf32, #tpu.memory_space<hbm>> -> memref<800x64xf32, #tpu.memory_space<hbm>>
          %dma_wait3A_65 = arith.constant 0 : i32
          %dma_wait3A_66 = tpu.memref_slice %arg7[%mul3A_57, %dma_wait3A_65] : memref<6656x64xf32, #tpu.memory_space<vmem_shared>> -> memref<800x64xf32, #tpu.memory_space<vmem_shared>>
          tpu.wait_dma2 semaphore(%run_scoped3A : memref<!tpu.dma_semaphore, #tpu.memory_space<semaphore_mem>>) src(%dma_wait3A_66 : memref<800x64xf32, #tpu.memory_space<vmem_shared>>) dst(%dma_wait3A_64 : memref<800x64xf32, #tpu.memory_space<hbm>>)
          tpu.yield
        }) : () -> ()
      } else {
      }
      %barrier3A_54 = arith.constant 0 : index
      tpu.barrier barrier_id(%barrier3A_54)
      %scan3A_55 = arith.constant 0 : i32
      scf.yield %scan3A_55 : i32
    }
    %scan3A_21 = arith.constant 25 : i32
    return
  }
}

module attributes {stable_mosaic.version = 14 : i64} {
  func.func @_sbf_body(%arg0: i32, %arg1: memref<2560x42xf32, #tpu.memory_space<vmem>>, %arg2: memref<42x128xf32, #tpu.memory_space<vmem>>, %arg3: memref<2560x128xf32, #tpu.memory_space<vmem>>) attributes {dimension_semantics = [#tpu.dimension_semantics<arbitrary>], iteration_bounds = array<i64: 250>, scalar_prefetch = 0 : i64, scratch_operands = 0 : i64, tpu.core_type = #tpu.core_type<tc>, window_params = [{transform_indices = @transform_0, window_bounds = array<i64: 2560, 42>}, {pipeline_mode = #tpu.pipeline_mode<synchronous>, transform_indices = @transform_1, window_bounds = array<i64: 42, 128>}, {transform_indices = @transform_2, window_bounds = array<i64: 2560, 128>}]} {
    %get3A = arith.constant 0 : index
    %get3A_0 = arith.constant 0 : index
    %get3A_1 = vector.load %arg1[%get3A, %get3A_0] : memref<2560x42xf32, #tpu.memory_space<vmem>>, vector<2560x42xf32>
    %get3A_2 = arith.constant 0 : index
    %get3A_3 = arith.constant 0 : index
    %get3A_4 = vector.load %arg2[%get3A_2, %get3A_3] : memref<42x128xf32, #tpu.memory_space<vmem>>, vector<42x128xf32>
    %dot_general3A = arith.constant dense<0.000000e+00> : vector<2560x128xf32>
    %dot_general3A_5 = tpu.matmul %get3A_1, %get3A_4, %dot_general3A {dimension_numbers = #tpu.dot_dimension_numbers<[1], [0], [0], [1], [0, 0, 1, 1], [], []>, transpose_lhs_hint = false} : vector<2560x42xf32>, vector<42x128xf32>, vector<2560x128xf32> -> vector<2560x128xf32>
    %swap3A = arith.constant 0 : index
    %swap3A_6 = arith.constant 0 : index
    %swap3A_7 = vector.load %arg3[%swap3A, %swap3A_6] : memref<2560x128xf32, #tpu.memory_space<vmem>>, vector<2560x128xf32>
    tpu.vector_store %arg3[%swap3A, %swap3A_6], %dot_general3A_5 {strides = array<i32>} : memref<2560x128xf32, #tpu.memory_space<vmem>>, vector<2560x128xf32>,
    return
  }
  func.func @transform_0(%arg0: i32) -> (i32, i32) {
    %c0_i32 = arith.constant 0 : i32
    %c0_i32_0 = arith.constant 0 : i32
    return %arg0, %c0_i32 : i32, i32
  }
  func.func @transform_1(%arg0: i32) -> (i32, i32) {
    %c0_i32 = arith.constant 0 : i32
    %c0_i32_0 = arith.constant 0 : i32
    %c0_i32_1 = arith.constant 0 : i32
    return %c0_i32, %c0_i32_0 : i32, i32
  }
  func.func @transform_2(%arg0: i32) -> (i32, i32) {
    %c0_i32 = arith.constant 0 : i32
    %c0_i32_0 = arith.constant 0 : i32
    return %arg0, %c0_i32 : i32, i32
  }
}

module attributes {stable_mosaic.version = 14 : i64} {
  func.func @_pre_body(%arg0: i32, %arg1: memref<1280x128xf32, #tpu.memory_space<vmem>>, %arg2: memref<1280x6xf32, #tpu.memory_space<vmem>>, %arg3: memref<128x128xf32, #tpu.memory_space<vmem>>, %arg4: memref<1x128xf32, #tpu.memory_space<vmem>>, %arg5: memref<128x128xf32, #tpu.memory_space<vmem>>, %arg6: memref<1x128xf32, #tpu.memory_space<vmem>>, %arg7: memref<6x128xf32, #tpu.memory_space<vmem>>, %arg8: memref<128x128xf32, #tpu.memory_space<vmem>>, %arg9: memref<1280x128xf32, #tpu.memory_space<vmem>>, %arg10: memref<1280x128xf32, #tpu.memory_space<vmem>>) attributes {dimension_semantics = [#tpu.dimension_semantics<arbitrary>], iteration_bounds = array<i64: 250>, scalar_prefetch = 0 : i64, scratch_operands = 0 : i64, tpu.core_type = #tpu.core_type<tc>, window_params = [{transform_indices = @transform_0, window_bounds = array<i64: 1280, 128>}, {transform_indices = @transform_1, window_bounds = array<i64: 1280, 6>}, {pipeline_mode = #tpu.pipeline_mode<synchronous>, transform_indices = @transform_2, window_bounds = array<i64: 128, 128>}, {pipeline_mode = #tpu.pipeline_mode<synchronous>, transform_indices = @transform_3, window_bounds = array<i64: 1, 128>}, {pipeline_mode = #tpu.pipeline_mode<synchronous>, transform_indices = @transform_4, window_bounds = array<i64: 128, 128>}, {pipeline_mode = #tpu.pipeline_mode<synchronous>, transform_indices = @transform_5, window_bounds = array<i64: 1, 128>}, {pipeline_mode = #tpu.pipeline_mode<synchronous>, transform_indices = @transform_6, window_bounds = array<i64: 6, 128>}, {pipeline_mode = #tpu.pipeline_mode<synchronous>, transform_indices = @transform_7, window_bounds = array<i64: 128, 128>}, {transform_indices = @transform_8, window_bounds = array<i64: 1280, 128>}, {transform_indices = @transform_9, window_bounds = array<i64: 1280, 128>}]} {
    %get3A = arith.constant 0 : index
    %get3A_0 = arith.constant 0 : index
    %get3A_1 = vector.load %arg1[%get3A, %get3A_0] : memref<1280x128xf32, #tpu.memory_space<vmem>>, vector<1280x128xf32>
    %get3A_2 = arith.constant 0 : index
    %get3A_3 = arith.constant 0 : index
    %get3A_4 = vector.load %arg3[%get3A_2, %get3A_3] : memref<128x128xf32, #tpu.memory_space<vmem>>, vector<128x128xf32>
    %dot_general3A = arith.constant dense<0.000000e+00> : vector<1280x128xf32>
    %dot_general3A_5 = tpu.matmul %get3A_1, %get3A_4, %dot_general3A {dimension_numbers = #tpu.dot_dimension_numbers<[1], [0], [0], [1], [0, 0, 1, 1], [], []>, transpose_lhs_hint = false} : vector<1280x128xf32>, vector<128x128xf32>, vector<1280x128xf32> -> vector<1280x128xf32>
    %get3A_6 = arith.constant 0 : index
    %get3A_7 = arith.constant 0 : index
    %get3A_8 = vector.load %arg4[%get3A_6, %get3A_7] : memref<1x128xf32, #tpu.memory_space<vmem>>, vector<1x128xf32>
    %add3A = vector.broadcast %get3A_8 : vector<1x128xf32> to vector<1280x128xf32>
    %add3A_9 = arith.addf %dot_general3A_5, %add3A : vector<1280x128xf32>
    %logistic3A = arith.negf %add3A_9 : vector<1280x128xf32>
    %logistic3A_10 = math.exp %logistic3A : vector<1280x128xf32>
    %logistic3A_11 = arith.constant 1.000000e+00 : f32
    %logistic3A_12 = vector.broadcast %logistic3A_11 : f32 to vector<1280x128xf32>
    %logistic3A_13 = arith.addf %logistic3A_12, %logistic3A_10 : vector<1280x128xf32>
    %logistic3A_14 = arith.divf %logistic3A_12, %logistic3A_13 : vector<1280x128xf32>
    %mul3A = arith.mulf %add3A_9, %logistic3A_14 : vector<1280x128xf32>
    %get3A_15 = arith.constant 0 : index
    %get3A_16 = arith.constant 0 : index
    %get3A_17 = vector.load %arg5[%get3A_15, %get3A_16] : memref<128x128xf32, #tpu.memory_space<vmem>>, vector<128x128xf32>
    %dot_general3A_18 = arith.constant dense<0.000000e+00> : vector<1280x128xf32>
    %dot_general3A_19 = tpu.matmul %get3A_1, %get3A_17, %dot_general3A_18 {dimension_numbers = #tpu.dot_dimension_numbers<[1], [0], [0], [1], [0, 0, 1, 1], [], []>, transpose_lhs_hint = false} : vector<1280x128xf32>, vector<128x128xf32>, vector<1280x128xf32> -> vector<1280x128xf32>
    %get3A_20 = arith.constant 0 : index
    %get3A_21 = arith.constant 0 : index
    %get3A_22 = vector.load %arg6[%get3A_20, %get3A_21] : memref<1x128xf32, #tpu.memory_space<vmem>>, vector<1x128xf32>
    %add3A_23 = vector.broadcast %get3A_22 : vector<1x128xf32> to vector<1280x128xf32>
    %add3A_24 = arith.addf %dot_general3A_19, %add3A_23 : vector<1280x128xf32>
    %logistic3A_25 = arith.negf %add3A_24 : vector<1280x128xf32>
    %logistic3A_26 = math.exp %logistic3A_25 : vector<1280x128xf32>
    %logistic3A_27 = arith.constant 1.000000e+00 : f32
    %logistic3A_28 = vector.broadcast %logistic3A_27 : f32 to vector<1280x128xf32>
    %logistic3A_29 = arith.addf %logistic3A_28, %logistic3A_26 : vector<1280x128xf32>
    %logistic3A_30 = arith.divf %logistic3A_28, %logistic3A_29 : vector<1280x128xf32>
    %mul3A_31 = arith.mulf %add3A_24, %logistic3A_30 : vector<1280x128xf32>
    %get3A_32 = arith.constant 0 : index
    %get3A_33 = arith.constant 0 : index
    %get3A_34 = vector.load %arg2[%get3A_32, %get3A_33] : memref<1280x6xf32, #tpu.memory_space<vmem>>, vector<1280x6xf32>
    %get3A_35 = arith.constant 0 : index
    %get3A_36 = arith.constant 0 : index
    %get3A_37 = vector.load %arg7[%get3A_35, %get3A_36] : memref<6x128xf32, #tpu.memory_space<vmem>>, vector<6x128xf32>
    %dot_general3A_38 = arith.constant dense<0.000000e+00> : vector<1280x128xf32>
    %dot_general3A_39 = tpu.matmul %get3A_34, %get3A_37, %dot_general3A_38 {dimension_numbers = #tpu.dot_dimension_numbers<[1], [0], [0], [1], [0, 0, 1, 1], [], []>, transpose_lhs_hint = false} : vector<1280x6xf32>, vector<6x128xf32>, vector<1280x128xf32> -> vector<1280x128xf32>
    %swap3A = arith.constant 0 : index
    %swap3A_40 = arith.constant 0 : index
    %swap3A_41 = vector.load %arg9[%swap3A, %swap3A_40] : memref<1280x128xf32, #tpu.memory_space<vmem>>, vector<1280x128xf32>
    tpu.vector_store %arg9[%swap3A, %swap3A_40], %mul3A {strides = array<i32>} : memref<1280x128xf32, #tpu.memory_space<vmem>>, vector<1280x128xf32>,
    %mul3A_42 = arith.mulf %mul3A_31, %dot_general3A_39 : vector<1280x128xf32>
    %get3A_43 = arith.constant 0 : index
    %get3A_44 = arith.constant 0 : index
    %get3A_45 = vector.load %arg8[%get3A_43, %get3A_44] : memref<128x128xf32, #tpu.memory_space<vmem>>, vector<128x128xf32>
    %dot_general3A_46 = arith.constant dense<0.000000e+00> : vector<1280x128xf32>
    %dot_general3A_47 = tpu.matmul %mul3A_42, %get3A_45, %dot_general3A_46 {dimension_numbers = #tpu.dot_dimension_numbers<[1], [0], [0], [1], [0, 0, 1, 1], [], []>, transpose_lhs_hint = false} : vector<1280x128xf32>, vector<128x128xf32>, vector<1280x128xf32> -> vector<1280x128xf32>
    %logistic3A_48 = arith.negf %dot_general3A_47 : vector<1280x128xf32>
    %logistic3A_49 = math.exp %logistic3A_48 : vector<1280x128xf32>
    %logistic3A_50 = arith.constant 1.000000e+00 : f32
    %logistic3A_51 = vector.broadcast %logistic3A_50 : f32 to vector<1280x128xf32>
    %logistic3A_52 = arith.addf %logistic3A_51, %logistic3A_49 : vector<1280x128xf32>
    %logistic3A_53 = arith.divf %logistic3A_51, %logistic3A_52 : vector<1280x128xf32>
    %mul3A_54 = arith.mulf %dot_general3A_47, %logistic3A_53 : vector<1280x128xf32>
    %swap3A_55 = arith.constant 0 : index
    %swap3A_56 = arith.constant 0 : index
    %swap3A_57 = vector.load %arg10[%swap3A_55, %swap3A_56] : memref<1280x128xf32, #tpu.memory_space<vmem>>, vector<1280x128xf32>
    tpu.vector_store %arg10[%swap3A_55, %swap3A_56], %mul3A_54 {strides = array<i32>} : memref<1280x128xf32, #tpu.memory_space<vmem>>, vector<1280x128xf32>,
    return
  }
  func.func @transform_0(%arg0: i32) -> (i32, i32) {
    %c0_i32 = arith.constant 0 : i32
    %c0_i32_0 = arith.constant 0 : i32
    return %arg0, %c0_i32 : i32, i32
  }
  func.func @transform_1(%arg0: i32) -> (i32, i32) {
    %c0_i32 = arith.constant 0 : i32
    %c0_i32_0 = arith.constant 0 : i32
    return %arg0, %c0_i32 : i32, i32
  }
  func.func @transform_2(%arg0: i32) -> (i32, i32) {
    %c0_i32 = arith.constant 0 : i32
    %c0_i32_0 = arith.constant 0 : i32
    %c0_i32_1 = arith.constant 0 : i32
    return %c0_i32, %c0_i32_0 : i32, i32
  }
  func.func @transform_3(%arg0: i32) -> (i32, i32) {
    %c0_i32 = arith.constant 0 : i32
    %c0_i32_0 = arith.constant 0 : i32
    %c0_i32_1 = arith.constant 0 : i32
    return %c0_i32, %c0_i32_0 : i32, i32
  }
  func.func @transform_4(%arg0: i32) -> (i32, i32) {
    %c0_i32 = arith.constant 0 : i32
    %c0_i32_0 = arith.constant 0 : i32
    %c0_i32_1 = arith.constant 0 : i32
    return %c0_i32, %c0_i32_0 : i32, i32
  }
  func.func @transform_5(%arg0: i32) -> (i32, i32) {
    %c0_i32 = arith.constant 0 : i32
    %c0_i32_0 = arith.constant 0 : i32
    %c0_i32_1 = arith.constant 0 : i32
    return %c0_i32, %c0_i32_0 : i32, i32
  }
  func.func @transform_6(%arg0: i32) -> (i32, i32) {
    %c0_i32 = arith.constant 0 : i32
    %c0_i32_0 = arith.constant 0 : i32
    %c0_i32_1 = arith.constant 0 : i32
    return %c0_i32, %c0_i32_0 : i32, i32
  }
  func.func @transform_7(%arg0: i32) -> (i32, i32) {
    %c0_i32 = arith.constant 0 : i32
    %c0_i32_0 = arith.constant 0 : i32
    %c0_i32_1 = arith.constant 0 : i32
    return %c0_i32, %c0_i32_0 : i32, i32
  }
  func.func @transform_8(%arg0: i32) -> (i32, i32) {
    %c0_i32 = arith.constant 0 : i32
    %c0_i32_0 = arith.constant 0 : i32
    return %arg0, %c0_i32 : i32, i32
  }
  func.func @transform_9(%arg0: i32) -> (i32, i32) {
    %c0_i32 = arith.constant 0 : i32
    %c0_i32_0 = arith.constant 0 : i32
    return %arg0, %c0_i32 : i32, i32
  }
}

module attributes {stable_mosaic.version = 14 : i64} {
  func.func @_post_body(%arg0: i32, %arg1: memref<1280x64xf32, #tpu.memory_space<vmem>>, %arg2: memref<1280x128xf32, #tpu.memory_space<vmem>>, %arg3: memref<1280x128xf32, #tpu.memory_space<vmem>>, %arg4: memref<64x128xf32, #tpu.memory_space<vmem>>, %arg5: memref<128x128xf32, #tpu.memory_space<vmem>>, %arg6: memref<1x128xf32, #tpu.memory_space<vmem>>, %arg7: memref<128x128xf32, #tpu.memory_space<vmem>>, %arg8: memref<1x128xf32, #tpu.memory_space<vmem>>, %arg9: memref<128x128xf32, #tpu.memory_space<vmem>>, %arg10: memref<1x128xf32, #tpu.memory_space<vmem>>, %arg11: memref<128x128xf32, #tpu.memory_space<vmem>>, %arg12: memref<1x128xf32, #tpu.memory_space<vmem>>, %arg13: memref<128x128xf32, #tpu.memory_space<vmem>>, %arg14: memref<1x128xf32, #tpu.memory_space<vmem>>, %arg15: memref<128x128xf32, #tpu.memory_space<vmem>>, %arg16: memref<1x128xf32, #tpu.memory_space<vmem>>, %arg17: memref<128x128xf32, #tpu.memory_space<vmem>>, %arg18: memref<1x128xf32, #tpu.memory_space<vmem>>, %arg19: memref<1280x128xf32, #tpu.memory_space<vmem>>) attributes {dimension_semantics = [#tpu.dimension_semantics<arbitrary>], iteration_bounds = array<i64: 250>, scalar_prefetch = 0 : i64, scratch_operands = 0 : i64, tpu.core_type = #tpu.core_type<tc>, window_params = [{transform_indices = @transform_0, window_bounds = array<i64: 1280, 64>}, {transform_indices = @transform_1, window_bounds = array<i64: 1280, 128>}, {transform_indices = @transform_2, window_bounds = array<i64: 1280, 128>}, {pipeline_mode = #tpu.pipeline_mode<synchronous>, transform_indices = @transform_3, window_bounds = array<i64: 64, 128>}, {pipeline_mode = #tpu.pipeline_mode<synchronous>, transform_indices = @transform_4, window_bounds = array<i64: 128, 128>}, {pipeline_mode = #tpu.pipeline_mode<synchronous>, transform_indices = @transform_5, window_bounds = array<i64: 1, 128>}, {pipeline_mode = #tpu.pipeline_mode<synchronous>, transform_indices = @transform_6, window_bounds = array<i64: 128, 128>}, {pipeline_mode = #tpu.pipeline_mode<synchronous>, transform_indices = @transform_7, window_bounds = array<i64: 1, 128>}, {pipeline_mode = #tpu.pipeline_mode<synchronous>, transform_indices = @transform_8, window_bounds = array<i64: 128, 128>}, {pipeline_mode = #tpu.pipeline_mode<synchronous>, transform_indices = @transform_9, window_bounds = array<i64: 1, 128>}, {pipeline_mode = #tpu.pipeline_mode<synchronous>, transform_indices = @transform_10, window_bounds = array<i64: 128, 128>}, {pipeline_mode = #tpu.pipeline_mode<synchronous>, transform_indices = @transform_11, window_bounds = array<i64: 1, 128>}, {pipeline_mode = #tpu.pipeline_mode<synchronous>, transform_indices = @transform_12, window_bounds = array<i64: 128, 128>}, {pipeline_mode = #tpu.pipeline_mode<synchronous>, transform_indices = @transform_13, window_bounds = array<i64: 1, 128>}, {pipeline_mode = #tpu.pipeline_mode<synchronous>, transform_indices = @transform_14, window_bounds = array<i64: 128, 128>}, {pipeline_mode = #tpu.pipeline_mode<synchronous>, transform_indices = @transform_15, window_bounds = array<i64: 1, 128>}, {pipeline_mode = #tpu.pipeline_mode<synchronous>, transform_indices = @transform_16, window_bounds = array<i64: 128, 128>}, {pipeline_mode = #tpu.pipeline_mode<synchronous>, transform_indices = @transform_17, window_bounds = array<i64: 1, 128>}, {transform_indices = @transform_18, window_bounds = array<i64: 1280, 128>}]} {
    %get3A = arith.constant 0 : index
    %get3A_0 = arith.constant 0 : index
    %get3A_1 = vector.load %arg1[%get3A, %get3A_0] : memref<1280x64xf32, #tpu.memory_space<vmem>>, vector<1280x64xf32>
    %get3A_2 = arith.constant 0 : index
    %get3A_3 = arith.constant 0 : index
    %get3A_4 = vector.load %arg4[%get3A_2, %get3A_3] : memref<64x128xf32, #tpu.memory_space<vmem>>, vector<64x128xf32>
    %dot_general3A = arith.constant dense<0.000000e+00> : vector<1280x128xf32>
    %dot_general3A_5 = tpu.matmul %get3A_1, %get3A_4, %dot_general3A {dimension_numbers = #tpu.dot_dimension_numbers<[1], [0], [0], [1], [0, 0, 1, 1], [], []>, transpose_lhs_hint = false} : vector<1280x64xf32>, vector<64x128xf32>, vector<1280x128xf32> -> vector<1280x128xf32>
    %logistic3A = arith.negf %dot_general3A_5 : vector<1280x128xf32>
    %logistic3A_6 = math.exp %logistic3A : vector<1280x128xf32>
    %logistic3A_7 = arith.constant 1.000000e+00 : f32
    %logistic3A_8 = vector.broadcast %logistic3A_7 : f32 to vector<1280x128xf32>
    %logistic3A_9 = arith.addf %logistic3A_8, %logistic3A_6 : vector<1280x128xf32>
    %logistic3A_10 = arith.divf %logistic3A_8, %logistic3A_9 : vector<1280x128xf32>
    %mul3A = arith.mulf %dot_general3A_5, %logistic3A_10 : vector<1280x128xf32>
    %get3A_11 = arith.constant 0 : index
    %get3A_12 = arith.constant 0 : index
    %get3A_13 = vector.load %arg2[%get3A_11, %get3A_12] : memref<1280x128xf32, #tpu.memory_space<vmem>>, vector<1280x128xf32>
    %add3A = arith.addf %get3A_13, %mul3A : vector<1280x128xf32>
    %get3A_14 = arith.constant 0 : index
    %get3A_15 = arith.constant 0 : index
    %get3A_16 = vector.load %arg5[%get3A_14, %get3A_15] : memref<128x128xf32, #tpu.memory_space<vmem>>, vector<128x128xf32>
    %dot_general3A_17 = arith.constant dense<0.000000e+00> : vector<1280x128xf32>
    %dot_general3A_18 = tpu.matmul %add3A, %get3A_16, %dot_general3A_17 {dimension_numbers = #tpu.dot_dimension_numbers<[1], [0], [0], [1], [0, 0, 1, 1], [], []>, transpose_lhs_hint = false} : vector<1280x128xf32>, vector<128x128xf32>, vector<1280x128xf32> -> vector<1280x128xf32>
    %get3A_19 = arith.constant 0 : index
    %get3A_20 = arith.constant 0 : index
    %get3A_21 = vector.load %arg6[%get3A_19, %get3A_20] : memref<1x128xf32, #tpu.memory_space<vmem>>, vector<1x128xf32>
    %add3A_22 = vector.broadcast %get3A_21 : vector<1x128xf32> to vector<1280x128xf32>
    %add3A_23 = arith.addf %dot_general3A_18, %add3A_22 : vector<1280x128xf32>
    %logistic3A_24 = arith.negf %add3A_23 : vector<1280x128xf32>
    %logistic3A_25 = math.exp %logistic3A_24 : vector<1280x128xf32>
    %logistic3A_26 = arith.constant 1.000000e+00 : f32
    %logistic3A_27 = vector.broadcast %logistic3A_26 : f32 to vector<1280x128xf32>
    %logistic3A_28 = arith.addf %logistic3A_27, %logistic3A_25 : vector<1280x128xf32>
    %logistic3A_29 = arith.divf %logistic3A_27, %logistic3A_28 : vector<1280x128xf32>
    %mul3A_30 = arith.mulf %add3A_23, %logistic3A_29 : vector<1280x128xf32>
    %get3A_31 = arith.constant 0 : index
    %get3A_32 = arith.constant 0 : index
    %get3A_33 = vector.load %arg7[%get3A_31, %get3A_32] : memref<128x128xf32, #tpu.memory_space<vmem>>, vector<128x128xf32>
    %dot_general3A_34 = arith.constant dense<0.000000e+00> : vector<1280x128xf32>
    %dot_general3A_35 = tpu.matmul %mul3A_30, %get3A_33, %dot_general3A_34 {dimension_numbers = #tpu.dot_dimension_numbers<[1], [0], [0], [1], [0, 0, 1, 1], [], []>, transpose_lhs_hint = false} : vector<1280x128xf32>, vector<128x128xf32>, vector<1280x128xf32> -> vector<1280x128xf32>
    %get3A_36 = arith.constant 0 : index
    %get3A_37 = arith.constant 0 : index
    %get3A_38 = vector.load %arg8[%get3A_36, %get3A_37] : memref<1x128xf32, #tpu.memory_space<vmem>>, vector<1x128xf32>
    %add3A_39 = vector.broadcast %get3A_38 : vector<1x128xf32> to vector<1280x128xf32>
    %add3A_40 = arith.addf %dot_general3A_35, %add3A_39 : vector<1280x128xf32>
    %logistic3A_41 = arith.negf %add3A_40 : vector<1280x128xf32>
    %logistic3A_42 = math.exp %logistic3A_41 : vector<1280x128xf32>
    %logistic3A_43 = arith.constant 1.000000e+00 : f32
    %logistic3A_44 = vector.broadcast %logistic3A_43 : f32 to vector<1280x128xf32>
    %logistic3A_45 = arith.addf %logistic3A_44, %logistic3A_42 : vector<1280x128xf32>
    %logistic3A_46 = arith.divf %logistic3A_44, %logistic3A_45 : vector<1280x128xf32>
    %mul3A_47 = arith.mulf %add3A_40, %logistic3A_46 : vector<1280x128xf32>
    %add3A_48 = arith.addf %add3A, %mul3A_47 : vector<1280x128xf32>
    %get3A_49 = arith.constant 0 : index
    %get3A_50 = arith.constant 0 : index
    %get3A_51 = vector.load %arg9[%get3A_49, %get3A_50] : memref<128x128xf32, #tpu.memory_space<vmem>>, vector<128x128xf32>
    %dot_general3A_52 = arith.constant dense<0.000000e+00> : vector<1280x128xf32>
    %dot_general3A_53 = tpu.matmul %add3A_48, %get3A_51, %dot_general3A_52 {dimension_numbers = #tpu.dot_dimension_numbers<[1], [0], [0], [1], [0, 0, 1, 1], [], []>, transpose_lhs_hint = false} : vector<1280x128xf32>, vector<128x128xf32>, vector<1280x128xf32> -> vector<1280x128xf32>
    %get3A_54 = arith.constant 0 : index
    %get3A_55 = arith.constant 0 : index
    %get3A_56 = vector.load %arg10[%get3A_54, %get3A_55] : memref<1x128xf32, #tpu.memory_space<vmem>>, vector<1x128xf32>
    %add3A_57 = vector.broadcast %get3A_56 : vector<1x128xf32> to vector<1280x128xf32>
    %add3A_58 = arith.addf %dot_general3A_53, %add3A_57 : vector<1280x128xf32>
    %logistic3A_59 = arith.negf %add3A_58 : vector<1280x128xf32>
    %logistic3A_60 = math.exp %logistic3A_59 : vector<1280x128xf32>
    %logistic3A_61 = arith.constant 1.000000e+00 : f32
    %logistic3A_62 = vector.broadcast %logistic3A_61 : f32 to vector<1280x128xf32>
    %logistic3A_63 = arith.addf %logistic3A_62, %logistic3A_60 : vector<1280x128xf32>
    %logistic3A_64 = arith.divf %logistic3A_62, %logistic3A_63 : vector<1280x128xf32>
    %mul3A_65 = arith.mulf %add3A_58, %logistic3A_64 : vector<1280x128xf32>
    %get3A_66 = arith.constant 0 : index
    %get3A_67 = arith.constant 0 : index
    %get3A_68 = vector.load %arg3[%get3A_66, %get3A_67] : memref<1280x128xf32, #tpu.memory_space<vmem>>, vector<1280x128xf32>
    %add3A_69 = arith.addf %get3A_68, %mul3A_65 : vector<1280x128xf32>
    %get3A_70 = arith.constant 0 : index
    %get3A_71 = arith.constant 0 : index
    %get3A_72 = vector.load %arg11[%get3A_70, %get3A_71] : memref<128x128xf32, #tpu.memory_space<vmem>>, vector<128x128xf32>
    %dot_general3A_73 = arith.constant dense<0.000000e+00> : vector<1280x128xf32>
    %dot_general3A_74 = tpu.matmul %add3A_69, %get3A_72, %dot_general3A_73 {dimension_numbers = #tpu.dot_dimension_numbers<[1], [0], [0], [1], [0, 0, 1, 1], [], []>, transpose_lhs_hint = false} : vector<1280x128xf32>, vector<128x128xf32>, vector<1280x128xf32> -> vector<1280x128xf32>
    %get3A_75 = arith.constant 0 : index
    %get3A_76 = arith.constant 0 : index
    %get3A_77 = vector.load %arg12[%get3A_75, %get3A_76] : memref<1x128xf32, #tpu.memory_space<vmem>>, vector<1x128xf32>
    %add3A_78 = vector.broadcast %get3A_77 : vector<1x128xf32> to vector<1280x128xf32>
    %add3A_79 = arith.addf %dot_general3A_74, %add3A_78 : vector<1280x128xf32>
    %logistic3A_80 = arith.negf %add3A_79 : vector<1280x128xf32>
    %logistic3A_81 = math.exp %logistic3A_80 : vector<1280x128xf32>
    %logistic3A_82 = arith.constant 1.000000e+00 : f32
    %logistic3A_83 = vector.broadcast %logistic3A_82 : f32 to vector<1280x128xf32>
    %logistic3A_84 = arith.addf %logistic3A_83, %logistic3A_81 : vector<1280x128xf32>
    %logistic3A_85 = arith.divf %logistic3A_83, %logistic3A_84 : vector<1280x128xf32>
    %mul3A_86 = arith.mulf %add3A_79, %logistic3A_85 : vector<1280x128xf32>
    %get3A_87 = arith.constant 0 : index
    %get3A_88 = arith.constant 0 : index
    %get3A_89 = vector.load %arg13[%get3A_87, %get3A_88] : memref<128x128xf32, #tpu.memory_space<vmem>>, vector<128x128xf32>
    %dot_general3A_90 = arith.constant dense<0.000000e+00> : vector<1280x128xf32>
    %dot_general3A_91 = tpu.matmul %mul3A_86, %get3A_89, %dot_general3A_90 {dimension_numbers = #tpu.dot_dimension_numbers<[1], [0], [0], [1], [0, 0, 1, 1], [], []>, transpose_lhs_hint = false} : vector<1280x128xf32>, vector<128x128xf32>, vector<1280x128xf32> -> vector<1280x128xf32>
    %get3A_92 = arith.constant 0 : index
    %get3A_93 = arith.constant 0 : index
    %get3A_94 = vector.load %arg14[%get3A_92, %get3A_93] : memref<1x128xf32, #tpu.memory_space<vmem>>, vector<1x128xf32>
    %add3A_95 = vector.broadcast %get3A_94 : vector<1x128xf32> to vector<1280x128xf32>
    %add3A_96 = arith.addf %dot_general3A_91, %add3A_95 : vector<1280x128xf32>
    %logistic3A_97 = arith.negf %add3A_96 : vector<1280x128xf32>
    %logistic3A_98 = math.exp %logistic3A_97 : vector<1280x128xf32>
    %logistic3A_99 = arith.constant 1.000000e+00 : f32
    %logistic3A_100 = vector.broadcast %logistic3A_99 : f32 to vector<1280x128xf32>
    %logistic3A_101 = arith.addf %logistic3A_100, %logistic3A_98 : vector<1280x128xf32>
    %logistic3A_102 = arith.divf %logistic3A_100, %logistic3A_101 : vector<1280x128xf32>
    %mul3A_103 = arith.mulf %add3A_96, %logistic3A_102 : vector<1280x128xf32>
    %add3A_104 = arith.addf %add3A_69, %mul3A_103 : vector<1280x128xf32>
    %get3A_105 = arith.constant 0 : index
    %get3A_106 = arith.constant 0 : index
    %get3A_107 = vector.load %arg15[%get3A_105, %get3A_106] : memref<128x128xf32, #tpu.memory_space<vmem>>, vector<128x128xf32>
    %dot_general3A_108 = arith.constant dense<0.000000e+00> : vector<1280x128xf32>
    %dot_general3A_109 = tpu.matmul %add3A_104, %get3A_107, %dot_general3A_108 {dimension_numbers = #tpu.dot_dimension_numbers<[1], [0], [0], [1], [0, 0, 1, 1], [], []>, transpose_lhs_hint = false} : vector<1280x128xf32>, vector<128x128xf32>, vector<1280x128xf32> -> vector<1280x128xf32>
    %get3A_110 = arith.constant 0 : index
    %get3A_111 = arith.constant 0 : index
    %get3A_112 = vector.load %arg16[%get3A_110, %get3A_111] : memref<1x128xf32, #tpu.memory_space<vmem>>, vector<1x128xf32>
    %add3A_113 = vector.broadcast %get3A_112 : vector<1x128xf32> to vector<1280x128xf32>
    %add3A_114 = arith.addf %dot_general3A_109, %add3A_113 : vector<1280x128xf32>
    %logistic3A_115 = arith.negf %add3A_114 : vector<1280x128xf32>
    %logistic3A_116 = math.exp %logistic3A_115 : vector<1280x128xf32>
    %logistic3A_117 = arith.constant 1.000000e+00 : f32
    %logistic3A_118 = vector.broadcast %logistic3A_117 : f32 to vector<1280x128xf32>
    %logistic3A_119 = arith.addf %logistic3A_118, %logistic3A_116 : vector<1280x128xf32>
    %logistic3A_120 = arith.divf %logistic3A_118, %logistic3A_119 : vector<1280x128xf32>
    %mul3A_121 = arith.mulf %add3A_114, %logistic3A_120 : vector<1280x128xf32>
    %get3A_122 = arith.constant 0 : index
    %get3A_123 = arith.constant 0 : index
    %get3A_124 = vector.load %arg17[%get3A_122, %get3A_123] : memref<128x128xf32, #tpu.memory_space<vmem>>, vector<128x128xf32>
    %dot_general3A_125 = arith.constant dense<0.000000e+00> : vector<1280x128xf32>
    %dot_general3A_126 = tpu.matmul %mul3A_121, %get3A_124, %dot_general3A_125 {dimension_numbers = #tpu.dot_dimension_numbers<[1], [0], [0], [1], [0, 0, 1, 1], [], []>, transpose_lhs_hint = false} : vector<1280x128xf32>, vector<128x128xf32>, vector<1280x128xf32> -> vector<1280x128xf32>
    %get3A_127 = arith.constant 0 : index
    %get3A_128 = arith.constant 0 : index
    %get3A_129 = vector.load %arg18[%get3A_127, %get3A_128] : memref<1x128xf32, #tpu.memory_space<vmem>>, vector<1x128xf32>
    %add3A_130 = vector.broadcast %get3A_129 : vector<1x128xf32> to vector<1280x128xf32>
    %add3A_131 = arith.addf %dot_general3A_126, %add3A_130 : vector<1280x128xf32>
    %logistic3A_132 = arith.negf %add3A_131 : vector<1280x128xf32>
    %logistic3A_133 = math.exp %logistic3A_132 : vector<1280x128xf32>
    %logistic3A_134 = arith.constant 1.000000e+00 : f32
    %logistic3A_135 = vector.broadcast %logistic3A_134 : f32 to vector<1280x128xf32>
    %logistic3A_136 = arith.addf %logistic3A_135, %logistic3A_133 : vector<1280x128xf32>
    %logistic3A_137 = arith.divf %logistic3A_135, %logistic3A_136 : vector<1280x128xf32>
    %mul3A_138 = arith.mulf %add3A_131, %logistic3A_137 : vector<1280x128xf32>
    %add3A_139 = arith.addf %add3A_104, %mul3A_138 : vector<1280x128xf32>
    %swap3A = arith.constant 0 : index
    %swap3A_140 = arith.constant 0 : index
    %swap3A_141 = vector.load %arg19[%swap3A, %swap3A_140] : memref<1280x128xf32, #tpu.memory_space<vmem>>, vector<1280x128xf32>
    tpu.vector_store %arg19[%swap3A, %swap3A_140], %add3A_139 {strides = array<i32>} : memref<1280x128xf32, #tpu.memory_space<vmem>>, vector<1280x128xf32>,
    return
  }
  func.func @transform_0(%arg0: i32) -> (i32, i32) {
    %c0_i32 = arith.constant 0 : i32
    %c0_i32_0 = arith.constant 0 : i32
    return %arg0, %c0_i32 : i32, i32
  }
  func.func @transform_1(%arg0: i32) -> (i32, i32) {
    %c0_i32 = arith.constant 0 : i32
    %c0_i32_0 = arith.constant 0 : i32
    return %arg0, %c0_i32 : i32, i32
  }
  func.func @transform_2(%arg0: i32) -> (i32, i32) {
    %c0_i32 = arith.constant 0 : i32
    %c0_i32_0 = arith.constant 0 : i32
    return %arg0, %c0_i32 : i32, i32
  }
  func.func @transform_3(%arg0: i32) -> (i32, i32) {
    %c0_i32 = arith.constant 0 : i32
    %c0_i32_0 = arith.constant 0 : i32
    %c0_i32_1 = arith.constant 0 : i32
    return %c0_i32, %c0_i32_0 : i32, i32
  }
  func.func @transform_4(%arg0: i32) -> (i32, i32) {
    %c0_i32 = arith.constant 0 : i32
    %c0_i32_0 = arith.constant 0 : i32
    %c0_i32_1 = arith.constant 0 : i32
    return %c0_i32, %c0_i32_0 : i32, i32
  }
  func.func @transform_5(%arg0: i32) -> (i32, i32) {
    %c0_i32 = arith.constant 0 : i32
    %c0_i32_0 = arith.constant 0 : i32
    %c0_i32_1 = arith.constant 0 : i32
    return %c0_i32, %c0_i32_0 : i32, i32
  }
  func.func @transform_6(%arg0: i32) -> (i32, i32) {
    %c0_i32 = arith.constant 0 : i32
    %c0_i32_0 = arith.constant 0 : i32
    %c0_i32_1 = arith.constant 0 : i32
    return %c0_i32, %c0_i32_0 : i32, i32
  }
  func.func @transform_7(%arg0: i32) -> (i32, i32) {
    %c0_i32 = arith.constant 0 : i32
    %c0_i32_0 = arith.constant 0 : i32
    %c0_i32_1 = arith.constant 0 : i32
    return %c0_i32, %c0_i32_0 : i32, i32
  }
  func.func @transform_8(%arg0: i32) -> (i32, i32) {
    %c0_i32 = arith.constant 0 : i32
    %c0_i32_0 = arith.constant 0 : i32
    %c0_i32_1 = arith.constant 0 : i32
    return %c0_i32, %c0_i32_0 : i32, i32
  }
  func.func @transform_9(%arg0: i32) -> (i32, i32) {
    %c0_i32 = arith.constant 0 : i32
    %c0_i32_0 = arith.constant 0 : i32
    %c0_i32_1 = arith.constant 0 : i32
    return %c0_i32, %c0_i32_0 : i32, i32
  }
  func.func @transform_10(%arg0: i32) -> (i32, i32) {
    %c0_i32 = arith.constant 0 : i32
    %c0_i32_0 = arith.constant 0 : i32
    %c0_i32_1 = arith.constant 0 : i32
    return %c0_i32, %c0_i32_0 : i32, i32
  }
  func.func @transform_11(%arg0: i32) -> (i32, i32) {
    %c0_i32 = arith.constant 0 : i32
    %c0_i32_0 = arith.constant 0 : i32
    %c0_i32_1 = arith.constant 0 : i32
    return %c0_i32, %c0_i32_0 : i32, i32
  }
  func.func @transform_12(%arg0: i32) -> (i32, i32) {
    %c0_i32 = arith.constant 0 : i32
    %c0_i32_0 = arith.constant 0 : i32
    %c0_i32_1 = arith.constant 0 : i32
    return %c0_i32, %c0_i32_0 : i32, i32
  }
  func.func @transform_13(%arg0: i32) -> (i32, i32) {
    %c0_i32 = arith.constant 0 : i32
    %c0_i32_0 = arith.constant 0 : i32
    %c0_i32_1 = arith.constant 0 : i32
    return %c0_i32, %c0_i32_0 : i32, i32
  }
  func.func @transform_14(%arg0: i32) -> (i32, i32) {
    %c0_i32 = arith.constant 0 : i32
    %c0_i32_0 = arith.constant 0 : i32
    %c0_i32_1 = arith.constant 0 : i32
    return %c0_i32, %c0_i32_0 : i32, i32
  }
  func.func @transform_15(%arg0: i32) -> (i32, i32) {
    %c0_i32 = arith.constant 0 : i32
    %c0_i32_0 = arith.constant 0 : i32
    %c0_i32_1 = arith.constant 0 : i32
    return %c0_i32, %c0_i32_0 : i32, i32
  }
  func.func @transform_16(%arg0: i32) -> (i32, i32) {
    %c0_i32 = arith.constant 0 : i32
    %c0_i32_0 = arith.constant 0 : i32
    %c0_i32_1 = arith.constant 0 : i32
    return %c0_i32, %c0_i32_0 : i32, i32
  }
  func.func @transform_17(%arg0: i32) -> (i32, i32) {
    %c0_i32 = arith.constant 0 : i32
    %c0_i32_0 = arith.constant 0 : i32
    %c0_i32_1 = arith.constant 0 : i32
    return %c0_i32, %c0_i32_0 : i32, i32
  }
  func.func @transform_18(%arg0: i32) -> (i32, i32) {
    %c0_i32 = arith.constant 0 : i32
    %c0_i32_0 = arith.constant 0 : i32
    return %arg0, %c0_i32 : i32, i32
  }
}

</mosaic_0001>

<sc_bundles>
// kernel: kernel.6.cloned.1.call-start
scs
__scs_entry_jumppad:
0x0: {  	(pc) =	sbr.rel $0x88, $3  }
0x1: {  	(tag) =	ssettag $0x0;
	lr =	simm.s32 $0x1  }
0x2: {  	[smem:$0x3F84] =	sst lr;
	_ =	strace $0xD0000000  }
0x3: {  	_ = 	snop  }
0x4: {  	_ = 	snop  }
0x5: {  	_ = 	snop  }
0x6: {  	_ = 	snop  }
0x7: {  	_ = 	snop  }
__scs_overlays_trampoline_lowered:
0x8: {  	[smem:$0x3F93] =	sst s0  }
0x9: {  	[smem:$0x3F94] =	sst s1  }
0xa: {  	[smem:$0x3F95] =	sst s2  }
0xb: {  	[smem:$0x3F96] =	sst s3  }
0xc: {  	[smem:$0x3F97] =	sst s4  }
0xd: {  	[smem:$0x3F98] =	sst s5  }
0xe: {  	[smem:$0x3F99] =	sst s6  }
0xf: {  	[smem:$0x3F9A] =	sst s7  }
0x10: {  	[smem:$0x3F9B] =	sst s8  }
0x11: {  	[smem:$0x3F9C] =	sst s9;
	s0 =	simm.s32 @!p0 $0x0  }
0x12: {  	s1 =	sld [smem:$0x3F82];
	s0 =	simm.s32 @p0 $0x1  }
0x13: {  	[smem:$0x3F9D] =	sst s0;
	s0 =	simm.s32 @!p1 $0x0  }
0x14: {  	s2 =	sld [smem:$0x3F81];
	s0 =	simm.s32 @p1 $0x1  }
0x15: {  	[smem:$0x3F9E] =	sst s0;
	s0 =	simm.s32 @!p2 $0x0  }
0x16: {  	s3 =	sld [smem:$0x3FDB];
	s0 =	simm.s32 @p2 $0x1  }
0x17: {  	s4 =	simm.s32 $0x1BF5;
	[smem:$0x3FA0] =	sst s0  }
0x18: {  	s0 =	sld [smem:$0x3F83];
	_ =	swait.ge [sflag:s4], $0x0  }
0x19: {  	s7 =	sld [smem:$0x3F84]  }
0x1a: {  	s8 =	sadd.s32 $0xFFFFE003, lr  }
0x1b: {  	s9 =	sadd.s32 $0xFFFFFEF7, lr;
	s5 =	simm.s32 $0xFFFFFFFF;
	p2 =	slt.u32 s8, $0xFFFFF086  }
0x1c: {  	p1 =	slt.u32 s9, $0xF7A;
	s5 =	simm.s32 @!p2 $0x0  }
0x1d: {  	s5 =	simm.s32 @p1 $0x1;
	p0 =	seq.s32 s7, s2  }
0x1e: {  	s7 =	smul.u32 @!p0 $0xF7A, s2;
	p2 =	seq.s32 @!p0 s5, $0x0  }
0x1f: {  	s9 =	smul.u32 $0xF7A, s1;
	s8 =	simm.s32 @!p0 $0x1BF5;
	p2 =	por !p2, p0  }
0x20: {  	[sflag:s8] =	ssyncset.s32 @!p0 $0xFFFFF086;
	s6 =	sadd.s32 @!p0 s3, s7;
	s7 =	simm.s32 @!p0 $0x108  }
0x21: {  	s3 =	sadd.s32 s3, s9;
	s6 =	sadd.s32 @!p0 $0x88, s6;
	s7 =	simm.s32 @p2 $0x1082  }
0x22: {  	[simem:s7], [sflag:s8] =	dma.local @!p0 [hbm:s6], $0xF7A  }
0x23: {  	s9 =	sor.u32 $0xD0000000, s2;
	s6 =	simm.s32 $0x108;
	_ =	swait.ge @!p0 [sflag:s8], $0x0  }
0x24: {  	s3 =	sadd.s32 $0x88, s3;
	s6 =	simm.s32 @!p1 $0x1082;
	[sflag:s4] =	ssyncset.s32 $0xFFFFF086  }
0x25: {  	[simem:s6], [sflag:s4] =	dma.local [hbm:s3], $0xF7A  }
0x26: {  	[smem:$0x3F84] =	sst s1;
	(tag) =	ssettag s2;
	_ =	strace s9  }
0x27: {  	s1 =	sld [smem:$0x3F94]  }
0x28: {  	s2 =	sld [smem:$0x3F95]  }
0x29: {  	s4 =	sld [smem:$0x3F97]  }
0x2a: {  	p0 =	seq.s32 s5, $0x0;
	s5 =	sld [smem:$0x3F98]  }
0x2b: {  	s6 =	sld [smem:$0x3F99]  }
0x2c: {  	s7 =	sld [smem:$0x3F9A]  }
0x2d: {  	s3 =	simm.s32 $0x108;
	s8 =	sld [smem:$0x3F9B]  }
0x2e: {  	s3 =	simm.s32 @!p0 $0x1082;
	s9 =	sld [smem:$0x3F9C]  }
0x2f: {  	lr =	sadd.s32 s0, s3;
	s0 =	sld [smem:$0x3F93]  }
0x30: {  	s3 =	sld [smem:$0x3F96]  }
0x31: {  	[smem:$0x3F9F] =	sst s10  }
0x32: {  	s10 =	sld [smem:$0x3F9D];
	_ =	sdelay $0x3  }
0x33: {  	p0 =	seq.s32 s10, $0x1;
	s10 =	sld [smem:$0x3F9F];
	_ =	sdelay $0x3  }
0x34: {  	[smem:$0x3F9F] =	sst s10  }
0x35: {  	s10 =	sld [smem:$0x3F9E];
	_ =	sdelay $0x3  }
0x36: {  	p1 =	seq.s32 s10, $0x1;
	s10 =	sld [smem:$0x3F9F];
	_ =	sdelay $0x3  }
0x37: {  	[smem:$0x3F9F] =	sst s10  }
0x38: {  	s10 =	sld [smem:$0x3FA0]  }
0x39: {  	_ = 	snop;
	(pc) =	sbr.ind lr, $3  }
0x3a: {  	_ = 	snop  }
0x3b: {  	_ = 	snop  }
0x3c: {  	p2 =	seq.s32 s10, $0x1;
	s10 =	sld [smem:$0x3F9F]  }
0x3d: {  	_ =	shalt  }
0x3e: {  	_ =	shalt  }
0x3f: {  	_ =	shalt  }
0x40: {  	_ =	shalt  }
0x41: {  	_ =	shalt  }
0x42: {  	_ =	shalt  }
0x43: {  	_ =	shalt  }
0x44: {  	_ =	shalt  }
0x45: {  	_ =	shalt  }
0x46: {  	_ =	shalt  }
0x47: {  	_ =	shalt  }
0x48: {  	_ =	shalt  }
0x49: {  	_ =	shalt  }
0x4a: {  	_ =	shalt  }
0x4b: {  	_ =	shalt  }
0x4c: {  	_ =	shalt  }
0x4d: {  	_ =	shalt  }
0x4e: {  	_ =	shalt  }
0x4f: {  	_ =	shalt  }
0x50: {  	_ =	shalt  }
0x51: {  	_ =	shalt  }
0x52: {  	_ =	shalt  }
0x53: {  	_ =	shalt  }
0x54: {  	_ =	shalt  }
0x55: {  	_ =	shalt  }
0x56: {  	_ =	shalt  }
0x57: {  	_ =	shalt  }
0x58: {  	_ =	shalt  }
0x59: {  	_ =	shalt  }
0x5a: {  	_ =	shalt  }
0x5b: {  	_ =	shalt  }
0x5c: {  	_ =	shalt  }
0x5d: {  	_ =	shalt  }
0x5e: {  	_ =	shalt  }
0x5f: {  	_ =	shalt  }
0x60: {  	_ =	shalt  }
0x61: {  	_ =	shalt  }
0x62: {  	_ =	shalt  }
0x63: {  	_ =	shalt  }
0x64: {  	_ =	shalt  }
0x65: {  	_ =	shalt  }
0x66: {  	_ =	shalt  }
0x67: {  	_ =	shalt  }
0x68: {  	_ =	shalt  }
0x69: {  	_ =	shalt  }
0x6a: {  	_ =	shalt  }
0x6b: {  	_ =	shalt  }
0x6c: {  	_ =	shalt  }
0x6d: {  	_ =	shalt  }
0x6e: {  	_ =	shalt  }
0x6f: {  	_ =	shalt  }
0x70: {  	_ =	shalt  }
0x71: {  	_ =	shalt  }
0x72: {  	_ =	shalt  }
0x73: {  	_ =	shalt  }
0x74: {  	_ =	shalt  }
0x75: {  	_ =	shalt  }
0x76: {  	_ =	shalt  }
0x77: {  	_ =	shalt  }
0x78: {  	_ =	shalt  }
0x79: {  	_ =	shalt  }
0x7a: {  	_ =	shalt  }
0x7b: {  	_ =	shalt  }
0x7c: {  	_ =	shalt  }
0x7d: {  	_ =	shalt  }
0x7e: {  	_ =	shalt  }
0x7f: {  	_ =	shalt  }
0x80: {  	_ =	shalt  }
0x81: {  	_ =	shalt  }
0x82: {  	_ =	shalt  }
0x83: {  	_ =	shalt  }
0x84: {  	_ =	shalt  }
0x85: {  	_ =	shalt  }
0x86: {  	_ =	shalt  }
0x87: {  	_ =	shalt  }
.Lfunc_end0:
.L_simem_size_0:
called_computation_lowered:
.L_overlay_start_0:
0x88: {  	s2 =	sld [smem:$0x3FD9]  }
0x89: {  	s3 =	sld [smem:$0x3FFE];
	_ =	sdelay $0x1  }
0x8a: {  	s1 =	srdreg.scid  }
0x8b: {  	s0 =	sand.u32 $0x1, s1  }
0x8c: {  	s17 =	sshll.u32 s0, $0xA;
	s2 =	sadd.s32 s3, s2  }
0x8d: {  	s2 =	sadd.s32 s2, s17  }
0x8e: {  	[smem:$0x3FAB] =	sst s2  }
0x8f: {  	_ = 	snop  }
0x90: {  	s2 =	sld [smem:$0x3FC6]  }
0x91: {  	s18 =	sld [smem:$0x3FC5];
	(tm) =	ssettm $0x1  }
0x92: {  	s4 =	sld [smem:$0x3FFB];
	_ =	sdelay $0x3  }
0x93: {  	_ =	strace s4  }
0x94: {  	s4 =	sld [smem:$0x3FFC];
	_ =	sdelay $0x3  }
0x95: {  	_ =	strace s4  }
0x96: {  	s4 =	sld [smem:$0x3FFD];
	_ =	sdelay $0x3  }
0x97: {  	_ =	strace s4  }
0x98: {  	_ =	strace $0x8FFFFFFF  }
0x99: {  	s19 =	sld [smem:$0x3FDB];
	_ =	sdelay $0x1  }
0x9a: {  	s5 =	simm.s32 $_scs_section_size  }
0x9b: {  	s6 =	simm.s32 $_size__tile_overlayer_lowered;
	s7 =	simm.s32 $_tile_overlayer_lowered  }
0x9c: {  	s22 =	simm.s32 $0x1BFF;
	s21 =	sshll.u32 s7, $0x1;
	s4 =	sadd.s32 s5, s19  }
0x9d: {  	s8 =	simm.s32 $0x0;
	s20 =	sshll.u32 s6, $0x1;
	s6 =	sadd.s32 s21, s4  }
0x9e: {  	[timem:s8], [sflag:s22] =	dma.local [hbm:s6], s20  }
0x9f: {  	_ =	swait.ge [sflag:s22], s20  }
0xa0: {  	s5 =	ssub.s32 $0x0, s20;
	[sflag:s22] =	ssyncset.done $0x0  }
0xa1: {  	[sflag:s22] =	ssyncadd.s32 s5;
	_ =	sdelay $0x1  }
0xa2: {  	s23 =	simm.s32 $0x1B8B  }
0xa3: {  	_ =	swait.ge [sflag:s23], $0x1  }
0xa4: {  	[sflag:s23] =	ssyncset.done $0x0  }
0xa5: {  	s25 =	simm.s32 $0x1B8E;
	s24 =	sld [smem:$0x3FFE];
	[sflag:s23] =	ssyncadd.s32 $0xFFFFFFFF  }
0xa6: {  	s26 =	simm.s32 $execute0_lowered;
	[smem:$0x3FD2] =	sst s25  }
0xa7: {  	s6 =	sshll.u32 s26, $0x1;
	_ =	strace $0x80000046;
	[dreg:$0x1] =	wrdreg $0xFFFFFFFF  }
0xa8: {  	s28 =	simm.s32 $_size_execute0_lowered;
	s4 =	sadd.s32 s4, s6;
	[dreg:$0x0] =	wrdreg $0x0  }
0xa9: {  	s6 =	sshll.u32 s28, $0x1;
	[dreg:$0x2] =	wrdreg s4  }
0xaa: {  	[dreg:$0x3] =	wrdreg s6  }
0xab: {  	[dreg:$0x4] =	wrdreg $0xC0  }
0xac: {  	_ =	task [dreg:s8], $0x5FFFF  }
0xad: {  	[dreg:$0x1] =	wrdreg $0xFFFFFFFF  }
0xae: {  	[dreg:$0x0] =	wrdreg $0x60  }
0xaf: {  	[dreg:$0x2] =	wrdreg s24  }
0xb0: {  	[dreg:$0x3] =	wrdreg s2  }
0xb1: {  	[dreg:$0x4] =	wrdreg s18  }
0xb2: {  	[dreg:$0x5] =	wrdreg $0x0  }
0xb3: {  	[dreg:$0x6] =	wrdreg $0x9  }
0xb4: {  	_ =	task.clear_ibuf [dreg:s8], $0x7FFFF;
	_ =	strace $0x90000046  }
0xb5: {  	s29 =	simm.s32 $0x9;
	_ =	strace $0x80000048  }
0xb6: {  	_ =	swait.ge [sflag:s29], $0x1  }
0xb7: {  	[sflag:s29] =	ssyncadd.s32 $0xFFFFFFFF  }
0xb8: {  	_ =	strace $0x90000048  }
0xb9: {  	_ =	sfence  }
0xba: {  	s30 =	sld [smem:$0x0];
	_ =	sdelay $0x2  }
0xbb: {  	s31 =	sshll.u32 s1, $0xD;
	s1 =	sshrl.u32 s1, $0x2  }
0xbc: {  	s3 =	sand.u32 $0x4000, s31;
	s1 =	sadd.s32 s1, s30  }
0xbd: {  	s0 =	sor.u32 s3, s0;
	s1 =	sshll.u32 s1, $0x11  }
0xbe: {  	s0 =	sor.u32 s1, s0  }
0xbf: {  	s0 =	sadd.s32 $0x8F2B, s0  }
0xc0: {  	[sflag:s0] =	ssyncadd.remote.s32 $0x1  }
0xc1: {  	_ =	sfence.sel $0xFFFF  }
0xc2: {  	[dreg:$0x0] =	wrdreg $0xFFFFFFFF;
	(pc) =	sbr.abs _section_cstart, $3  }
0xc3: {  	[dreg:$0x1] =	wrdreg $0xFFFFFFFF  }
0xc4: {  	_ =	task.clear_ibuf [dreg:s8], $0x2FFFF;
	_ =	strace $0x9FFFFFFF  }
0xc5: {  	(tm) =	ssettm $0x7FFFFFFF  }
tec
execute0_lowered:
.L_overlay_start_1:
0x0: {  	(tag) =	ssettag $0x1  }
0x1: {  	s0 =	rddreg [dreg:$0x0]  }
0x2: {  	s1 =	rddreg [dreg:$0x1]  }
0x3: {  	s2 =	rddreg [dreg:$0x2]  }
0x4: {  	s3 =	rddreg [dreg:$0x3];
	s31 =	simm.s32 $0x0  }
0x5: {  	s4 =	srdreg.scid;
	s16 =	stileid.u32;
	s17 =	simm.s32 $0x1C900  }
0x6: {  	s18 =	simm.s32 $0x1;
	s19 =	simm.s32 $0x6800;
	s20 =	simm.s32 $0x8780  }
0x7: {  	s21 =	simm.s32 $0xA700;
	s28 =	simm.s32 $0x14900;
	s29 =	simm.s32 $0x10880  }
0x8: {  	s30 =	simm.s32 $0x18900;
	[smem:$0x7FF] =	sst s31;
	s5 =	sand.u32 $0x1, s4  }
0x9: {  	s22 =	smul.u32 $0x34000, s16;
	s7 =	sadd.s32 $0x3800, s0;
	s8 =	sadd.s32 $0x9C8600, s0  }
0xa: {  	s0 =	sadd.s32 $0x138C600, s0;
	s25 =	sshll.u32 s16, $0x8;
	s9 =	smul.u32 $0x64000, s16  }
0xb: {  	s15 =	smul.u32 $0x320, s16;
	_ =	strace $0x80000047;
	[dreg:$0x6] =	wrdreg s5  }
0xc: {  	p0 =	sgt.u32 s16, $0x7;
	s5 =	ssub.s32 $0x2, s5;
	[dreg:$0x7] =	wrdreg s0  }
0xd: {  	s26 =	sor.u32 $0x10, s25;
	s10 =	sor.u32 $0x20, s25;
	s11 =	sor.u32 $0x30, s25  }
0xe: {  	s12 =	sor.u32 $0x40, s25;
	s13 =	sor.u32 $0x50, s25;
	s14 =	sor.u32 $0x60, s25  }
0xf: {  	v0 =	vlaneseq.u32;
	s23 =	sshrl.u32 s5, $0x1;
	s4 =	sshrl.u32 s22, $0x2;
	s9 =	sshrl.u32 s9, $0x2  }
0x10: {  	v2 =	vor.u32 s26, v0;
	s22 =	simm.s32 $0xC780;
	s26 =	simm.s32 $0x10900;
	s0 =	ssub.s32 s5, s23  }
0x11: {  	v9 =	vimm.f32 $0.0e+00;
	v11 =	vimm.s32 $0x0;
	v10 =	vor.u32 $0x1900, v0;
	s5 =	smul.u32 $0x9C40, s16;
	s6 =	sadd.s32 s4, s3;
	s23 =	simm.s32 $0xE800  }
.Ltmp0:
0x12: {  	v12 =	vor.u32 $0x2030, v0;
	v13 =	vor.u32 $0x1910, v0;
	v14 =	vor.u32 $0x1920, v0;
	s4 =	sadd.s32 $0x3400, s6;
	[dreg:$0x8] =	wrdreg s6;
	(pc) =	sbr.rel .LBB2_1-.Ltmp0, $4  }
0x13: {  	v15 =	vor.u32 $0x1930, v0;
	v16 =	vor.u32 $0x1940, v0;
	v17 =	vor.u32 $0x1950, v0;
	s16 =	simm.s32 $0x0;
	s24 =	sadd.s32 $0x6800, s6;
	[dreg:$0x9] =	wrdreg s4  }
0x14: {  	v18 =	vor.u32 $0x1960, v0;
	v19 =	vor.u32 $0x1970, v0;
	v1 =	vor.u32 s25, v0;
	s6 =	sadd.s32 $0x9C00, s6;
	s0 =	smax.u32 s0, $0x1;
	[dreg:$0xa] =	wrdreg s24  }
0x15: {  	v3 =	vor.u32 s10, v0;
	v4 =	vor.u32 s11, v0;
	v5 =	vor.u32 s12, v0;
	[dreg:$0xb] =	wrdreg s6;
	s4 =	sor.u32 $0x70, s25;
	s6 =	sadd.s32 s9, s3  }
0x16: {  	v6 =	vor.u32 s13, v0;
	v7 =	vor.u32 s14, v0;
	[dreg:$0xc] =	wrdreg s0;
	s24 =	simm.s32 $0x80;
	v8 =	vor.u32 s4, v0;
	s25 =	sshrl.u32 @!p0 s6, $0x3  }
.LBB2_15:
0x17: {  	s31 =	rddreg [dreg:$0x5]  }
0x18: {  	s0 =	rddreg [dreg:$0xc];
	s31 =	sadd.s32 $0x1, s31  }
0x19: {  	p1 =	sne.s32 s31, s0  }
.Ltmp1:
0x1a: {  	_ = 	snop;
	(pc) =	sbr.rel @!p1 .LBB2_16-.Ltmp1, $1  }
0x1b: {  	_ =	sdelay $0x3  }
.LBB2_1:
0x1c: {  	[dreg:$0x5] =	wrdreg s31;
	s4 =	simm.s32 $0x200;
	s0 =	simm.s32 $0x0  }
.LBB2_2:
0x1d: {  	p1 =	sne.s32 s4, $0xCE00;
	[tilespmem:s0+$0x1C930] =	vst v9;
	s6 =	smov.u32 s4;
	s4 =	sadd.s32 $0x200, s4  }
.Ltmp2:
0x1e: {  	[tilespmem:s0+$0x1C920] =	vst v9;
	(pc) =	sbr.rel @p1 .LBB2_2-.Ltmp2, $3  }
0x1f: {  	[tilespmem:s0+$0x1C900] =	vst v9  }
0x20: {  	[tilespmem:s0+$0x1C910] =	vst v9;
	_ =	sdelay $0x1  }
0x21: {  	s0 =	sshra.s32 s6, $0x2  }
0x22: {  	[tilespmem:s0+$0x1C930] =	vst v9  }
0x23: {  	[tilespmem:s0+$0x1C920] =	vst v9  }
0x24: {  	[tilespmem:s0+$0x1C900] =	vst v9  }
0x25: {  	s31 =	simm.s32 $0x0;
	[tilespmem:s0+$0x1C910] =	vst v9;
	s0 =	simm.s32 $0x40;
	s4 =	simm.s32 $0x0  }
.LBB2_4:
0x26: {  	p1 =	sne.s32 s0, $0x80C0;
	[tilespmem:s4+$0xE800] =	vst v0;
	s6 =	smov.u32 s0;
	s0 =	sadd.s32 $0x40, s0  }
.Ltmp3:
0x27: {  	[tilespmem:s4+$0xA700] =	vst v10;
	(pc) =	sbr.rel @p1 .LBB2_4-.Ltmp3, $2  }
0x28: {  	[tilespmem:s4+$0xC780] =	vst v0;
	_ =	sdelay $0x2  }
0x29: {  	s4 =	sshra.s32 s6, $0x2  }
.Ltmp4:
0x2a: {  	(pc) =	sbr.rel .LBB2_6-.Ltmp4, $4  }
0x2b: {  	_ = 	snop  }
0x2c: {  	[tilespmem:s4+$0xE800] =	vst v0  }
0x2d: {  	[tilespmem:s4+$0xA700] =	vst v10  }
0x2e: {  	[tilespmem:s4+$0xC780] =	vst v0  }
.LBB2_14:
0x2f: {  	s0 =	sadd.s32 @!p0 s15, s0;
	s4 =	stileid.u32;
	[bflag:$0x0] =	sbarrier.arrive $0xFFFF  }
0x30: {  	s0 =	sshll.u32 @!p0 s0, $0x4;
	s4 =	sshll.u32 @!p0 s4, $0x6;
	s6 =	rddreg [dreg:$0x7]  }
0x31: {  	s31 =	sadd.s32 $0x1, s31;
	s0 =	sadd.s32 @!p0 s6, s0;
	s4 =	sor.u32 @!p0 $0x1C01, s4  }
0x32: {  	[hbm:s0], [sflag:s4] =	dma.local @!p0 [spmem:s25], $0x3200  }
0x33: {  	p1 =	sne.s32 s31, $0x19;
	s0 =	simm.s32 @!p0 $0x1  }
.Ltmp5:
0x34: {  	_ =	swait.ge @!p0 [sflag:s0], $0x3200;
	(pc) =	sbr.rel @!p1 .LBB2_15-.Ltmp5, $3  }
0x35: {  	[sflag:s0] =	ssyncset.done @!p0 $0x0  }
0x36: {  	[sflag:s0] =	ssyncadd.s32 @!p0 $0xFFFFCE00  }
0x37: {  	[bflag:$0x0] =	sbarrier.arrive $0xFFFF;
	_ =	sdelay $0x1  }
.LBB2_6:
0x38: {  	s0 =	rddreg [dreg:$0x8]  }
0x39: {  	[spmem:s0] =	stream.linear.scatter [tilespmem:s17], [sflag:$0x1], $0x3400, $0x38;
	[tilespmem:$0x1FD00] =	vst v63  }
0x3a: {  	_ =	swait.ge [sflag:s18], $0x3400  }
0x3b: {  	[sflag:s18] =	ssyncset.done $0x0  }
0x3c: {  	s10 =	rddreg [dreg:$0x9];
	[sflag:s18] =	ssyncadd.s32 $0xFFFFCC00  }
0x3d: {  	[spmem:s10] =	stream.linear.scatter [tilespmem:s17], [sflag:$0x1], $0x3400, $0x38;
	[tilespmem:$0x1FD00] =	vst v63  }
0x3e: {  	_ =	swait.ge [sflag:s18], $0x3400  }
0x3f: {  	[sflag:s18] =	ssyncset.done $0x0  }
0x40: {  	s11 =	rddreg [dreg:$0xa];
	[sflag:s18] =	ssyncadd.s32 $0xFFFFCC00  }
0x41: {  	[spmem:s11] =	stream.linear.scatter [tilespmem:s17], [sflag:$0x1], $0x3400, $0x38;
	[tilespmem:$0x1FD00] =	vst v63  }
0x42: {  	_ =	swait.ge [sflag:s18], $0x3400  }
0x43: {  	[sflag:s18] =	ssyncset.done $0x0;
	s4 =	rddreg [dreg:$0x6]  }
0x44: {  	s12 =	sshll.u32 s31, $0x1;
	s13 =	rddreg [dreg:$0xb];
	[sflag:s18] =	ssyncadd.s32 $0xFFFFCC00  }
0x45: {  	[spmem:s13] =	stream.linear.scatter [tilespmem:s17], [sflag:$0x1], $0x3400, $0x38;
	[tilespmem:$0x1FD00] =	vst v63  }
.Ltmp6:
0x46: {  	s0 =	sor.u32 s4, s12;
	_ =	swait.ge [sflag:s18], $0x3400;
	(pc) =	sbr.rel .LBB2_7-.Ltmp6, $4  }
0x47: {  	s0 =	smul.u32 $0x1900, s0;
	[sflag:s18] =	ssyncset.done $0x0  }
0x48: {  	[sflag:s18] =	ssyncadd.s32 $0xFFFFCC00  }
0x49: {  	s14 =	sadd.s32 $0x1900, s0;
	[bflag:$0x0] =	sbarrier.arrive $0xFFFF  }
0x4a: {  	s10 =	smov.u32 s5;
	s4 =	simm.s32 $0x0;
	v20 =	vmov s0;
	v21 =	vmov s14  }
.LBB2_13:
0x4b: {  	s4 =	sadd.s32 $0x1, s4  }
0x4c: {  	p1 =	sne.s32 s4, $0x5  }
.Ltmp7:
0x4d: {  	_ = 	snop;
	(pc) =	sbr.rel @!p1 .LBB2_14-.Ltmp7, $2  }
0x4e: {  	_ =	sdelay $0x2  }
0x4f: {  	s10 =	sadd.s32 $0x1F40, s10  }
.LBB2_7:
0x50: {  	s6 =	smul.u32 $0x1F40, s4;
	_ =	sdelay $0x1  }
0x51: {  	s6 =	sadd.s32 s5, s6  }
0x52: {  	s6 =	sshrl.u32 s6, $0x3  }
0x53: {  	s9 =	sadd.s32 s2, s6  }
0x54: {  	[tilespmem:s19], [sflag:$0x1] =	stream.linear.gather [hbm4b:s9+s16], $0x1F40, $0x38;
	[tilespmem:$0x1FD00] =	vst v63  }
0x55: {  	_ =	swait.ge [sflag:s18], $0x1F40  }
0x56: {  	[sflag:s18] =	ssyncset.done $0x0  }
0x57: {  	s6 =	sadd.s32 s1, s6;
	[sflag:s18] =	ssyncadd.s32 $0xFFFFE0C0  }
0x58: {  	[tilespmem:s20], [sflag:$0x1] =	stream.linear.gather [hbm4b:s6+s16], $0x1F40, $0x38;
	[tilespmem:$0x1FD00] =	vst v63  }
0x59: {  	_ =	swait.ge [sflag:s18], $0x1F40  }
0x5a: {  	[sflag:s18] =	ssyncset.done $0x0  }
0x5b: {  	s14 =	simm.s32 $0x0;
	[sflag:s18] =	ssyncadd.s32 $0xFFFFE0C0  }
0x5c: {  	v22 =	vld [tilespmem:s14+$0x6800];
	_ =	sdelay $0x4  }
0x5d: {  	vm0 =	vge.s32 v22, v20;
	vm1 =	vlt.s32 v22, v21  }
0x5e: {  	vm0 =	vmand vm0, vm1  }
0x5f: {  	v23 =	vsel vm0, $0x1, v11  }
0x60: {  	(xrf0) =	vadd.scan.msk.s32 $0xffff, v23;
	_ =	sdelay $0x5  }
0x61: {  	v23 =	vsel vm0, $0xFFFFFFFF, v11;
	v24, _, _ =	vpop (xrf0)  }
0x62: {  	v23 =	vadd.s32 s16, v23;
	(v2sf) =	vpush v24, $0xF  }
0x63: {  	v23 =	vadd.s32 v24, v23  }
0x64: {  	v23 =	vsel vm0, v23, v12;
	_ =	sdelay $0x3  }
0x65: {  	v22 =	vsub.s32 v22, v20  }
0x66: {  	[tilespmem:v23+s21+$0x0] =	vst.idx.msk $0xffff, v22  }
0x67: {  	v22 =	vld [tilespmem:s14+$0x8780];
	_ =	sdelay $0x4  }
0x68: {  	[tilespmem:v23+s22+$0x0] =	vst.idx.msk $0xffff, v22;
	v22 =	vor.u32 s10, v0  }
0x69: {  	s13 =	simm.s32 $0x80;
	s9 =	simm.s32 $0x10;
	[tilespmem:v23+s23+$0x0] =	vst.idx.msk $0xffff, v22  }
0x6a: {  	s12 =	simm.s32 $0x0;
	s6 =	smov.u32 s10;
	v22 =	vld [tilespmem:s9+$0x6800];
	s11 =	spop (v2sf)  }
.LBB2_8:
0x6b: {  	s12 =	sadd.s32 s12, s11  }
0x6c: {  	s6 =	sadd.s32 $0x10, s6;
	s11 =	smov.u32 s13;
	s14 =	sadd.s32 $0x40, s13  }
0x6d: {  	p1 =	sne.s32 s13, $0x7CC0;
	_ =	sdelay $0x1  }
0x6e: {  	vm0 =	vge.s32 v22, v20;
	vm1 =	vlt.s32 v22, v21  }
0x6f: {  	vm0 =	vmand vm0, vm1  }
0x70: {  	v23 =	vsel vm0, $0xFFFFFFFF, v11;
	v24 =	vsel vm0, $0x1, v11  }
0x71: {  	(xrf0) =	vadd.scan.msk.s32 $0xffff, v24;
	_ =	sdelay $0x5  }
0x72: {  	v23 =	vadd.s32 s12, v23;
	v24, _, _ =	vpop (xrf0)  }
0x73: {  	v23 =	vadd.s32 v24, v23;
	(v2sf) =	vpush v24, $0xF  }
0x74: {  	v23 =	vsel vm0, v23, v12;
	_ =	sdelay $0x3  }
0x75: {  	v22 =	vsub.s32 v22, v20  }
0x76: {  	[tilespmem:v23+s21+$0x0] =	vst.idx.msk $0xffff, v22  }
0x77: {  	v22 =	vld [tilespmem:s9+$0x8780];
	_ =	sdelay $0x3  }
.Ltmp8:
0x78: {  	(pc) =	sbr.rel @p1 .LBB2_8-.Ltmp8, $4  }
0x79: {  	[tilespmem:v23+s22+$0x0] =	vst.idx.msk $0xffff, v22;
	v22 =	vor.u32 s6, v0  }
0x7a: {  	s9 =	sshra.s32 s11, $0x2;
	[tilespmem:v23+s23+$0x0] =	vst.idx.msk $0xffff, v22  }
0x7b: {  	v22 =	vld [tilespmem:s9+$0x6800]  }
0x7c: {  	s13 =	smov.u32 s14;
	s11 =	spop (v2sf)  }
0x7d: {  	_ =	sdelay $0x2  }
0x7e: {  	vm0 =	vge.s32 v22, v20;
	vm1 =	vlt.s32 v22, v21  }
0x7f: {  	vm0 =	vmand vm0, vm1  }
0x80: {  	v23 =	vsel vm0, $0x1, v11  }
0x81: {  	(xrf0) =	vadd.scan.msk.s32 $0xffff, v23;
	_ =	sdelay $0x5  }
0x82: {  	v23, _, _ =	vpop (xrf0)  }
0x83: {  	(v2sf) =	vpush v23, $0xF  }
0x84: {  	s11 =	sadd.s32 s12, s11;
	v24 =	vsel vm0, $0xFFFFFFFF, v11  }
0x85: {  	v24 =	vadd.s32 s11, v24  }
0x86: {  	v23 =	vadd.s32 v23, v24  }
0x87: {  	v23 =	vsel vm0, v23, v12;
	_ =	sdelay $0x3  }
0x88: {  	v22 =	vsub.s32 v22, v20  }
0x89: {  	[tilespmem:v23+s21+$0x0] =	vst.idx.msk $0xffff, v22  }
0x8a: {  	v22 =	vld [tilespmem:s9+$0x8780];
	_ =	sdelay $0x3  }
0x8b: {  	s6 =	sadd.s32 $0x10, s6  }
0x8c: {  	[tilespmem:v23+s22+$0x0] =	vst.idx.msk $0xffff, v22;
	v22 =	vor.u32 s6, v0;
	s13 =	spop (v2sf)  }
0x8d: {  	[tilespmem:v23+s23+$0x0] =	vst.idx.msk $0xffff, v22;
	s14 =	sadd.s32 s11, s13  }
0x8e: {  	[tilespmem:s14+$0xA700] =	vst v10  }
0x8f: {  	[tilespmem:s14+$0xC780] =	vst v1  }
0x90: {  	[tilespmem:s14+$0xE800] =	vst v1  }
0x91: {  	[tilespmem:s14+$0xA710] =	vst v13  }
0x92: {  	[tilespmem:s14+$0xC790] =	vst v2  }
0x93: {  	[tilespmem:s14+$0xE810] =	vst v2  }
0x94: {  	[tilespmem:s14+$0xA720] =	vst v14  }
0x95: {  	[tilespmem:s14+$0xC7A0] =	vst v3  }
0x96: {  	[tilespmem:s14+$0xE820] =	vst v3  }
0x97: {  	[tilespmem:s14+$0xA730] =	vst v15  }
0x98: {  	[tilespmem:s14+$0xC7B0] =	vst v4  }
0x99: {  	[tilespmem:s14+$0xE830] =	vst v4  }
0x9a: {  	[tilespmem:s14+$0xA740] =	vst v16  }
0x9b: {  	[tilespmem:s14+$0xC7C0] =	vst v5  }
0x9c: {  	[tilespmem:s14+$0xE840] =	vst v5  }
0x9d: {  	[tilespmem:s14+$0xA750] =	vst v17  }
0x9e: {  	[tilespmem:s14+$0xC7D0] =	vst v6;
	s6 =	sadd.s32 $0x7F, s14  }
0x9f: {  	[tilespmem:s14+$0xE850] =	vst v6;
	s6 =	sshra.s32 s6, $0x7  }
0xa0: {  	[tilespmem:s14+$0xA760] =	vst v18;
	p1 =	slt.s32 s6, $0x1  }
.Ltmp9:
0xa1: {  	[tilespmem:s14+$0xC7E0] =	vst v7;
	(pc) =	sbr.rel @p1 .LBB2_13-.Ltmp9, $4  }
0xa2: {  	[tilespmem:s14+$0xE860] =	vst v7  }
0xa3: {  	[tilespmem:s14+$0xA770] =	vst v19  }
0xa4: {  	[tilespmem:s14+$0xC7F0] =	vst v8  }
0xa5: {  	s9 =	simm.s32 $0x0;
	[tilespmem:s14+$0xE870] =	vst v8  }
.LBB2_10:
0xa6: {  	s12 =	sshll.u32 s9, $0x7  }
0xa7: {  	s11 =	sadd.s32 $0xC780, s12  }
0xa8: {  	[tilespmem:s26], [sflag:$0x1] =	stream.indirect.gather [hbm4b:s7+s24], $0x80, s11, s24, $0xb8;
	[tilespmem:$0x1FD00] =	vst v63  }
0xa9: {  	_ =	swait.ge [sflag:s18], $0x4000  }
0xaa: {  	[sflag:s18] =	ssyncset.done $0x0  }
0xab: {  	s14 =	sadd.s32 $0xE800, s12;
	[sflag:s18] =	ssyncadd.s32 $0xFFFFC000  }
0xac: {  	[tilespmem:s28], [sflag:$0x1] =	stream.indirect.gather [hbm4b:s8+s24], $0x80, s14, s24, $0xb8;
	[tilespmem:$0x1FD00] =	vst v63  }
0xad: {  	_ =	swait.ge [sflag:s18], $0x4000  }
0xae: {  	[sflag:s18] =	ssyncset.done $0x0  }
0xaf: {  	s11 =	simm.s32 $0x0;
	[sflag:s18] =	ssyncadd.s32 $0xFFFFC000  }
0xb0: {  	v24 =	vld [tilespmem:s11+$0x10930]  }
0xb1: {  	v26 =	vld [tilespmem:s11+$0x14930]  }
0xb2: {  	v27 =	vld [tilespmem:s11+$0x10900]  }
0xb3: {  	v28 =	vld [tilespmem:s11+$0x14900]  }
0xb4: {  	v23 =	vld [tilespmem:s11+$0x10910]  }
0xb5: {  	v25 =	vld [tilespmem:s11+$0x14910]  }
0xb6: {  	v22 =	vld [tilespmem:s11+$0x10920];
	v29 =	vmul.f32 v26, v24  }
0xb7: {  	s13 =	simm.s32 $0x80;
	v26 =	vld [tilespmem:s11+$0x14920]  }
0xb8: {  	s14 =	simm.s32 $0x400;
	v24 =	vld [tilespmem:s13+$0x10930];
	v27 =	vmul.f32 v28, v27;
	[tilespmem:s11+$0x18930] =	vst v29  }
.LBB2_11:
0xb9: {  	p1 =	sne.s32 s14, $0xFE00;
	v28 =	vld [tilespmem:s13+$0x14930]  }
0xba: {  	v29 =	vld [tilespmem:s13+$0x10900];
	[tilespmem:s11+$0x18900] =	vst v27;
	v25 =	vmul.f32 v25, v23  }
0xbb: {  	v27 =	vld [tilespmem:s13+$0x14900]  }
.Ltmp10:
0xbc: {  	v23 =	vld [tilespmem:s13+$0x10910];
	[tilespmem:s11+$0x18910] =	vst v25;
	v26 =	vmul.f32 v26, v22;
	(pc) =	sbr.rel @p1 .LBB2_11-.Ltmp10, $4  }
0xbd: {  	v25 =	vld [tilespmem:s13+$0x14910]  }
0xbe: {  	v22 =	vld [tilespmem:s13+$0x10920];
	v28 =	vmul.f32 v28, v24;
	[tilespmem:s11+$0x18920] =	vst v26;
	s11 =	smov.u32 s13  }
0xbf: {  	s13 =	sshra.s32 s14, $0x2;
	v26 =	vld [tilespmem:s11+$0x14920]  }
0xc0: {  	s14 =	sadd.s32 $0x200, s14;
	v24 =	vld [tilespmem:s13+$0x10930];
	v27 =	vmul.f32 v27, v29;
	[tilespmem:s11+$0x18930] =	vst v28  }
0xc1: {  	v28 =	vld [tilespmem:s13+$0x14930]  }
0xc2: {  	v29 =	vld [tilespmem:s13+$0x10900];
	[tilespmem:s11+$0x18900] =	vst v27;
	v23 =	vmul.f32 v25, v23  }
0xc3: {  	v62 =	vld [tilespmem:s13+$0x14900]  }
0xc4: {  	v27 =	vld [tilespmem:s13+$0x10910];
	[tilespmem:s11+$0x18910] =	vst v23;
	v22 =	vmul.f32 v26, v22  }
0xc5: {  	v23 =	vld [tilespmem:s13+$0x14910]  }
0xc6: {  	v63 =	vld [tilespmem:s13+$0x10920];
	[tilespmem:s11+$0x18920] =	vst v22  }
0xc7: {  	v22 =	vld [tilespmem:s13+$0x14920];
	_ =	sdelay $0x1  }
0xc8: {  	v24 =	vmul.f32 v28, v24  }
0xc9: {  	v25 =	vmul.f32 v62, v29  }
0xca: {  	[tilespmem:s13+$0x18930] =	vst v24;
	v23 =	vmul.f32 v23, v27  }
0xcb: {  	[tilespmem:s13+$0x18900] =	vst v25;
	v22 =	vmul.f32 v22, v63  }
0xcc: {  	[tilespmem:s13+$0x18910] =	vst v23  }
0xcd: {  	[tilespmem:s13+$0x18920] =	vst v22  }
0xce: {  	v22 =	vld [tilespmem:s12+$0xA700];
	_ =	sdelay $0x3  }
0xcf: {  	s14 =	sshll.u32 s9, $0x9  }
0xd0: {  	s11 =	sshra.s32 s14, $0x2;
	[tilespmem:$0x10880] =	vst v22  }
0xd1: {  	v22 =	vld [tilespmem:s11+$0xA710];
	_ =	sdelay $0x4  }
0xd2: {  	[tilespmem:$0x10890] =	vst v22  }
0xd3: {  	v22 =	vld [tilespmem:s11+$0xA720];
	_ =	sdelay $0x4  }
0xd4: {  	[tilespmem:$0x108A0] =	vst v22  }
0xd5: {  	v22 =	vld [tilespmem:s11+$0xA730];
	_ =	sdelay $0x4  }
0xd6: {  	[tilespmem:$0x108B0] =	vst v22  }
0xd7: {  	v22 =	vld [tilespmem:s11+$0xA740];
	_ =	sdelay $0x4  }
0xd8: {  	[tilespmem:$0x108C0] =	vst v22  }
0xd9: {  	v22 =	vld [tilespmem:s11+$0xA750];
	_ =	sdelay $0x4  }
0xda: {  	[tilespmem:$0x108D0] =	vst v22  }
0xdb: {  	v22 =	vld [tilespmem:s11+$0xA760];
	_ =	sdelay $0x4  }
0xdc: {  	[tilespmem:$0x108E0] =	vst v22  }
0xdd: {  	v22 =	vld [tilespmem:s11+$0xA770];
	_ =	sdelay $0x3  }
0xde: {  	s9 =	sadd.s32 $0x1, s9  }
0xdf: {  	p1 =	sne.s32 s9, s6;
	[tilespmem:$0x108F0] =	vst v22  }
0xe0: {  	[spmem:s3] =	stream.indirect.scatter.add.f32 [tilespmem:s30], [sflag:$0x1], $0x40, s29, s24, $0xb8;
	[tilespmem:$0x1FD00] =	vst v63  }
.Ltmp11:
0xe1: {  	_ = 	snop;
	(pc) =	sbr.rel @p1 .LBB2_10-.Ltmp11, $4  }
.Ltmp12:
0xe2: {  	_ = 	snop;
	(pc) =	sbr.rel @!p1 .LBB2_13-.Ltmp12, $4  }
0xe3: {  	_ =	swait.ge [sflag:s18], $0x2000  }
0xe4: {  	[sflag:s18] =	ssyncset.done $0x0  }
0xe5: {  	[sflag:s18] =	ssyncadd.s32 $0xFFFFE000  }
0xe6: {  	_ = 	snop  }
.LBB2_16:
0xe7: {  	_ =	sfence.sel $0x180000  }
0xe8: {  	[bflag:$0x0] =	sbarrier.arrive $0xFFFF  }
0xe9: {  	_ =	strace $0x90000047  }
0xea: {  	s0 =	stileid.u32;
	[bflag:$0x2] =	sbarrier.arrive $0xFFFF  }
0xeb: {  	p0 =	sne.s32 s0, $0x0;
	s0 =	rddreg [dreg:$0x4]  }
0xec: {  	s0 =	sadd.s32 @!p0 $0x100000, s0  }
0xed: {  	[sflag:s0] =	ssyncadd.tile.s32 @!p0 $0x1;
	_ =	shalt  }
.Lfunc_end2:
_tile_overlayer_lowered:
.L_overlay_start_2:
0xee: {  	(tag) =	ssettag $0x2  }
0xef: {  	s0 =	rddreg [dreg:$0x0];
	s2 =	stileid.u32  }
0xf0: {  	s1 =	rddreg [dreg:$0x1];
	p0 =	sne.s32 s2, $0x0  }
0xf1: {  	s3 =	rddreg [dreg:$0x2];
	[bflag:$0x3] =	sbarrier.arrive $0xFFFF;
	s2 =	simm.s32 @!p0 $0x1C01  }
0xf2: {  	[timem:s3], [sflag:s2] =	dma.local @!p0 [hbm:s0], s1  }
0xf3: {  	s0 =	simm.s32 @!p0 $0x1  }
0xf4: {  	_ =	swait.ge @!p0 [sflag:s0], s1  }
0xf5: {  	s1 =	ssub.s32 @!p0 $0x0, s1;
	[sflag:s0] =	ssyncset.done @!p0 $0x0  }
0xf6: {  	[sflag:s0] =	ssyncadd.s32 @!p0 s1  }
0xf7: {  	[bflag:$0x3] =	sbarrier.arrive $0xFFFF  }
0xf8: {  	_ =	shalt  }

</sc_bundles>
